<compile_context>
chip_gen: v7x
topology: tpu7x:2x2x1
jax: 0.10.2.dev20260603
libtpu: 0.0.44.dev20260713+nightly
codegen_flags: <defaults>
</compile_context>

<pallas_src>
import functools

import jax
import jax.numpy as jnp
from jax import lax
from jax.experimental import pallas as pl
from jax.experimental.pallas import tpu as pltpu
from jax.experimental.pallas import tpu_sc as plsc

N = 10000
E = 160000
D = 256
H = 128
NSC = 2
NT = 16
CH = 128
CHUNKS = 80
HALF = CHUNKS // 2
E_PAD = NT * CHUNKS * CH
N_PAD = 10240
ZROWS = N_PAD // NT

_SC_MESH = plsc.VectorSubcoreMesh(core_axis_name="c", subcore_axis_name="s")


@functools.partial(
    pl.kernel,
    out_type=jax.ShapeDtypeStruct((NSC, N_PAD, H), jnp.float32),
    mesh=_SC_MESH,
    scratch_types=[
        pltpu.VMEM((HALF, CH), jnp.int32),
        pltpu.VMEM((HALF, CH), jnp.int32),
        pltpu.VMEM((2, CH, H), jnp.float32),
        pltpu.VMEM_SHARED((N_PAD, H), jnp.float32),
        pltpu.SemaphoreType.DMA((2,)),
        pltpu.SemaphoreType.DMA((2,)),
    ],
)
def _sc_agg(tbl, src3, dst3, zeros, out, sidx, didx, rows, acc, sems, ssems):
    c = lax.axis_index("c")
    s = lax.axis_index("s")
    pltpu.sync_copy(zeros, acc.at[pl.ds(s * ZROWS, ZROWS)])
    plsc.subcore_barrier()

    for ph in (0, 1):
        cbase = s * CHUNKS + ph * HALF
        pltpu.sync_copy(src3.at[c, pl.ds(cbase, HALF)], sidx)
        pltpu.sync_copy(dst3.at[pl.ds(cbase, HALF)], didx)
        pltpu.async_copy(tbl.at[sidx.at[0]], rows.at[0], sems.at[0])

        @pl.loop(0, HALF, step=2)
        def _(g):
            for b in (0, 1):
                i = g + b
                nb = 1 - b

                @pl.when(i >= 1)
                def _():
                    pltpu.make_async_copy(rows.at[nb],
                                          acc.at[didx.at[i - 1]],
                                          ssems.at[nb]).wait()

                @pl.when(i + 1 < HALF)
                def _():
                    pltpu.async_copy(tbl.at[sidx.at[i + 1]],
                                     rows.at[nb], sems.at[nb])

                pltpu.make_async_copy(tbl.at[sidx.at[i]], rows.at[b],
                                      sems.at[b]).wait()
                pltpu.async_copy(rows.at[b], acc.at[didx.at[i]],
                                 ssems.at[b], add=True)

        pltpu.make_async_copy(rows.at[1], acc.at[didx.at[HALF - 1]],
                              ssems.at[1]).wait()

    plsc.subcore_barrier()
    pltpu.sync_copy(acc.at[pl.ds(s * ZROWS, ZROWS)],
                    out.at[c, pl.ds(s * ZROWS, ZROWS)])


_R = 400


def _tc_body(relu_after, xs_ref, agg_ref, wa_ref, ba_ref, wb_ref, bb_ref,
             out_ref):
    h = jnp.concatenate(
        [xs_ref[0] + agg_ref[0], xs_ref[1] + agg_ref[1]], axis=-1)
    h = jnp.dot(h.astype(jnp.bfloat16), wa_ref[...].astype(jnp.bfloat16),
                preferred_element_type=jnp.float32)
    h = jnp.maximum(h + ba_ref[...], 0.0)
    h = jnp.dot(h.astype(jnp.bfloat16), wb_ref[...].astype(jnp.bfloat16),
                preferred_element_type=jnp.float32)
    h = h + bb_ref[...]
    if relu_after:
        h = jnp.maximum(h, 0.0)
        out_ref[0] = h[:, :H]
        out_ref[1] = h[:, H:]
    else:
        out_ref[...] = h


def _tc_mlp_call(relu_after, xs, agg, wa, ba, wb, bb):
    grid = N // _R
    split_spec = pl.BlockSpec((NSC, _R, H), lambda i: (0, i, 0))
    full = pl.BlockSpec((D, D), lambda i: (0, 0))
    bias = pl.BlockSpec((1, D), lambda i: (0, 0))
    if relu_after:
        out_shape = jax.ShapeDtypeStruct((NSC, N, H), jnp.float32)
        out_spec = split_spec
    else:
        out_shape = jax.ShapeDtypeStruct((N, D), jnp.float32)
        out_spec = pl.BlockSpec((_R, D), lambda i: (i, 0))
    return pl.pallas_call(
        functools.partial(_tc_body, relu_after),
        grid=(grid,),
        in_specs=[split_spec, split_spec, full, bias, full, bias],
        out_specs=out_spec,
        out_shape=out_shape,
    )(xs, agg, wa, ba, wb, bb)


def kernel(x, edge_index, W1a, b1a, W1b, b1b, W2a, b2a, W2b, b2b):
    src = edge_index[0]
    dst = edge_index[1]
    pad = E_PAD - E
    srcp = jnp.concatenate([src, jnp.zeros((pad,), jnp.int32)])
    src3 = jnp.stack([srcp, srcp + N]).reshape(NSC, NT * CHUNKS, CH)
    dst3 = jnp.concatenate([dst, jnp.full((pad,), N, jnp.int32)])
    dst3 = dst3.reshape(NT * CHUNKS, CH)
    zeros = jnp.zeros((ZROWS, H), jnp.float32)

    x2 = jnp.stack([x[:, :H], x[:, H:]])
    agg1 = _sc_agg(x2.reshape(NSC * N, H), src3, dst3, zeros)
    h2 = _tc_mlp_call(True, x2, agg1, W1a, b1a.reshape(1, D), W1b,
                      b1b.reshape(1, D))
    agg2 = _sc_agg(h2.reshape(NSC * N, H), src3, dst3, zeros)
    out = _tc_mlp_call(False, h2, agg2, W2a, b2a.reshape(1, D), W2b,
                       b2b.reshape(1, D))
    return out

# --- scband reference (transcript-rebuilt; emitter-appended) ---
"""Pipeline reference for scband-gin-4458176053837 (READ-ONLY COPY).

The authoritative reference and input builder live on the scoring server;
editing this copy changes nothing except your own understanding.
"""

import jax, jax.numpy as jnp
import numpy as np

N = 10000
E = 160000
D_IN = 256
D_HID = 256
D_OUT = 256


def setup_inputs(seed: int = 0) -> dict:
    key = jax.random.key(seed)
    ks = jax.random.split(key, 12)
    x = jax.random.normal(ks[0], (N, D_IN), dtype=jnp.float32)
    edge_index = jax.random.randint(ks[1], (2, E), 0, N, dtype=jnp.int32)
    s_in = 1.0 / np.sqrt(D_IN)
    s_hid = 1.0 / np.sqrt(D_HID)
    W1a = jax.random.normal(ks[2], (D_IN, D_HID), dtype=jnp.float32) * s_in
    b1a = jax.random.normal(ks[3], (D_HID,), dtype=jnp.float32) * s_in
    W1b = jax.random.normal(ks[4], (D_HID, D_HID), dtype=jnp.float32) * s_hid
    b1b = jax.random.normal(ks[5], (D_HID,), dtype=jnp.float32) * s_hid
    W2a = jax.random.normal(ks[6], (D_HID, D_HID), dtype=jnp.float32) * s_hid
    b2a = jax.random.normal(ks[7], (D_HID,), dtype=jnp.float32) * s_hid
    W2b = jax.random.normal(ks[8], (D_HID, D_OUT), dtype=jnp.float32) * s_hid
    b2b = jax.random.normal(ks[9], (D_OUT,), dtype=jnp.float32) * s_hid
    return {"x": x, "edge_index": edge_index, "W1a": W1a, "b1a": b1a,
            "W1b": W1b, "b1b": b1b, "W2a": W2a, "b2a": b2a,
            "W2b": W2b, "b2b": b2b}


def _gin_conv(x, src, dst, Wa, ba, Wb, bb):
    # GINConv with eps=0: nn((1+eps)*x + sum_{j in N(i)} x_j)
    msgs = jnp.take(x, src, axis=0)                      # gather source node feats
    agg = jax.ops.segment_sum(msgs, dst, num_segments=N) # scatter-add at dst
    h = x + agg
    h = jnp.maximum(h @ Wa + ba, 0.0)
    return h @ Wb + bb


def reference(x, edge_index, W1a, b1a, W1b, b1b, W2a, b2a, W2b, b2b):
    src = edge_index[0]
    dst = edge_index[1]
    h = _gin_conv(x, src, dst, W1a, b1a, W1b, b1b)
    h = jnp.maximum(h, 0.0)
    out = _gin_conv(h, src, dst, W2a, b2a, W2b, b2b)
    return out

if __name__ == "__main__":
    import jax
    _d = setup_inputs()
    print(jax.jit(kernel)(*tuple(_d.values())))

</pallas_src>

<mosaic_0001>
#map = affine_map<(d0, d1) -> (0, 0)>
#map1 = affine_map<(d0, d1) -> (0, 0, 0)>
module attributes {stable_mosaic.version = 14 : i64} {
  func.func @_sc_agg(%arg0: i32, %arg1: i32, %arg2: memref<20000x128xf32, #tpu.memory_space<hbm>>, %arg3: memref<2x1280x128xi32, #tpu.memory_space<hbm>>, %arg4: memref<1280x128xi32, #tpu.memory_space<hbm>>, %arg5: memref<640x128xf32, #tpu.memory_space<hbm>>, %arg6: memref<2x10240x128xf32, #tpu.memory_space<hbm>>, %arg7: memref<40x128xi32, #tpu.memory_space<vmem>>, %arg8: memref<40x128xi32, #tpu.memory_space<vmem>>, %arg9: memref<2x128x128xf32, #tpu.memory_space<vmem>>, %arg10: memref<10240x128xf32, #tpu.memory_space<vmem_shared>>, %arg11: memref<2x!tpu.dma_semaphore, #tpu.memory_space<semaphore_mem>>, %arg12: memref<2x!tpu.dma_semaphore, #tpu.memory_space<semaphore_mem>>) attributes {dimension_semantics = [#tpu.dimension_semantics<core_parallel>, #tpu.dimension_semantics<subcore_parallel>], iteration_bounds = array<i64: 2, 16>, scalar_prefetch = 0 : i64, scratch_operands = 6 : i64, tpu.core_type = #tpu.core_type<sc_vector_subcore>, window_params = [{transform_indices = #map}, {transform_indices = #map1}, {transform_indices = #map}, {transform_indices = #map}, {transform_indices = #map1}]} {
    %mul3A = arith.constant 640 : i32
    %mul3A_0 = arith.muli %arg1, %mul3A : i32
    "tpu.region"() ({
      %run_scoped3A = tpu.sem_alloc : memref<!tpu.dma_semaphore, #tpu.memory_space<semaphore_mem>>
      %dma_start3A_80 = arith.constant 0 : i32
      %dma_start3A_81 = tpu.memref_slice %arg10[%mul3A_0, %dma_start3A_80] : memref<10240x128xf32, #tpu.memory_space<vmem_shared>> -> memref<640x128xf32, #tpu.memory_space<vmem_shared>>
      tpu.enqueue_dma source(%arg5 : memref<640x128xf32, #tpu.memory_space<hbm>>) target(%dma_start3A_81 : memref<640x128xf32, #tpu.memory_space<vmem_shared>>) target_semaphore(%run_scoped3A : memref<!tpu.dma_semaphore, #tpu.memory_space<semaphore_mem>>)
      %dma_wait3A_82 = arith.constant 0 : i32
      %dma_wait3A_83 = tpu.memref_slice %arg10[%mul3A_0, %dma_wait3A_82] : memref<10240x128xf32, #tpu.memory_space<vmem_shared>> -> memref<640x128xf32, #tpu.memory_space<vmem_shared>>
      tpu.wait_dma2 semaphore(%run_scoped3A : memref<!tpu.dma_semaphore, #tpu.memory_space<semaphore_mem>>) src(%arg5 : memref<640x128xf32, #tpu.memory_space<hbm>>) dst(%dma_wait3A_83 : memref<640x128xf32, #tpu.memory_space<vmem_shared>>)
      tpu.yield
    }) : () -> ()
    %barrier3A = arith.constant 0 : index
    tpu.barrier barrier_id(%barrier3A)
    %mul3A_1 = arith.constant 80 : i32
    %mul3A_2 = arith.muli %arg1, %mul3A_1 : i32
    %add3A = arith.constant 0 : i32
    %add3A_3 = arith.addi %mul3A_2, %add3A : i32
    "tpu.region"() ({
      %run_scoped3A = tpu.sem_alloc : memref<!tpu.dma_semaphore, #tpu.memory_space<semaphore_mem>>
      %dma_start3A_80 = arith.constant 0 : i32
      %dma_start3A_81 = tpu.memref_slice %arg3[%arg0, %add3A_3, %dma_start3A_80] : memref<2x1280x128xi32, #tpu.memory_space<hbm>> -> memref<1x40x128xi32, #tpu.memory_space<hbm>>
      %dma_start3A_82 = tpu.memref_squeeze %dma_start3A_81 : memref<1x40x128xi32, #tpu.memory_space<hbm>> -> memref<40x128xi32, #tpu.memory_space<hbm>>
      %dma_start3A_83 = arith.constant 0 : i32
      %dma_start3A_84 = tpu.memref_slice %arg3[%arg0, %add3A_3, %dma_start3A_83] : memref<2x1280x128xi32, #tpu.memory_space<hbm>> -> memref<1x40x128xi32, #tpu.memory_space<hbm>>
      %dma_start3A_85 = tpu.memref_squeeze %dma_start3A_84 : memref<1x40x128xi32, #tpu.memory_space<hbm>> -> memref<40x128xi32, #tpu.memory_space<hbm>>
      tpu.enqueue_dma source(%dma_start3A_85 : memref<40x128xi32, #tpu.memory_space<hbm>>) target(%arg7 : memref<40x128xi32, #tpu.memory_space<vmem>>) target_semaphore(%run_scoped3A : memref<!tpu.dma_semaphore, #tpu.memory_space<semaphore_mem>>)
      %dma_wait3A_86 = arith.constant 0 : i32
      %dma_wait3A_87 = tpu.memref_slice %arg3[%arg0, %add3A_3, %dma_wait3A_86] : memref<2x1280x128xi32, #tpu.memory_space<hbm>> -> memref<1x40x128xi32, #tpu.memory_space<hbm>>
      %dma_wait3A_88 = tpu.memref_squeeze %dma_wait3A_87 : memref<1x40x128xi32, #tpu.memory_space<hbm>> -> memref<40x128xi32, #tpu.memory_space<hbm>>
      %dma_wait3A_89 = arith.constant 0 : i32
      %dma_wait3A_90 = tpu.memref_slice %arg3[%arg0, %add3A_3, %dma_wait3A_89] : memref<2x1280x128xi32, #tpu.memory_space<hbm>> -> memref<1x40x128xi32, #tpu.memory_space<hbm>>
      %dma_wait3A_91 = tpu.memref_squeeze %dma_wait3A_90 : memref<1x40x128xi32, #tpu.memory_space<hbm>> -> memref<40x128xi32, #tpu.memory_space<hbm>>
      tpu.wait_dma2 semaphore(%run_scoped3A : memref<!tpu.dma_semaphore, #tpu.memory_space<semaphore_mem>>) src(%dma_wait3A_91 : memref<40x128xi32, #tpu.memory_space<hbm>>) dst(%arg7 : memref<40x128xi32, #tpu.memory_space<vmem>>)
      tpu.yield
    }) : () -> ()
    "tpu.region"() ({
      %run_scoped3A = tpu.sem_alloc : memref<!tpu.dma_semaphore, #tpu.memory_space<semaphore_mem>>
      %dma_start3A_80 = arith.constant 0 : i32
      %dma_start3A_81 = tpu.memref_slice %arg4[%add3A_3, %dma_start3A_80] : memref<1280x128xi32, #tpu.memory_space<hbm>> -> memref<40x128xi32, #tpu.memory_space<hbm>>
      %dma_start3A_82 = arith.constant 0 : i32
      %dma_start3A_83 = tpu.memref_slice %arg4[%add3A_3, %dma_start3A_82] : memref<1280x128xi32, #tpu.memory_space<hbm>> -> memref<40x128xi32, #tpu.memory_space<hbm>>
      tpu.enqueue_dma source(%dma_start3A_83 : memref<40x128xi32, #tpu.memory_space<hbm>>) target(%arg8 : memref<40x128xi32, #tpu.memory_space<vmem>>) target_semaphore(%run_scoped3A : memref<!tpu.dma_semaphore, #tpu.memory_space<semaphore_mem>>)
      %dma_wait3A_84 = arith.constant 0 : i32
      %dma_wait3A_85 = tpu.memref_slice %arg4[%add3A_3, %dma_wait3A_84] : memref<1280x128xi32, #tpu.memory_space<hbm>> -> memref<40x128xi32, #tpu.memory_space<hbm>>
      %dma_wait3A_86 = arith.constant 0 : i32
      %dma_wait3A_87 = tpu.memref_slice %arg4[%add3A_3, %dma_wait3A_86] : memref<1280x128xi32, #tpu.memory_space<hbm>> -> memref<40x128xi32, #tpu.memory_space<hbm>>
      tpu.wait_dma2 semaphore(%run_scoped3A : memref<!tpu.dma_semaphore, #tpu.memory_space<semaphore_mem>>) src(%dma_wait3A_87 : memref<40x128xi32, #tpu.memory_space<hbm>>) dst(%arg8 : memref<40x128xi32, #tpu.memory_space<vmem>>)
      tpu.yield
    }) : () -> ()
    %dma_start3A = arith.constant 0 : i32
    %dma_start3A_4 = arith.constant 0 : i32
    %dma_start3A_5 = arith.constant 0 : i32
    %dma_start3A_6 = arith.constant 0 : i32
    %dma_start3A_7 = arith.constant 0 : i32
    %dma_start3A_8 = tpu.memref_slice %arg9[%dma_start3A_4, %dma_start3A_6, %dma_start3A_7] : memref<2x128x128xf32, #tpu.memory_space<vmem>> -> memref<1x128x128xf32, #tpu.memory_space<vmem>>
    %dma_start3A_9 = tpu.memref_squeeze %dma_start3A_8 : memref<1x128x128xf32, #tpu.memory_space<vmem>> -> memref<128x128xf32, #tpu.memory_space<vmem>>
    %dma_start3A_10 = arith.constant 0 : i32
    %dma_start3A_11 = tpu.memref_slice %arg7[%dma_start3A, %dma_start3A_10] : memref<40x128xi32, #tpu.memory_space<vmem>> -> memref<1x128xi32, #tpu.memory_space<vmem>>
    %dma_start3A_12 = tpu.memref_squeeze %dma_start3A_11 : memref<1x128xi32, #tpu.memory_space<vmem>> -> memref<128xi32, #tpu.memory_space<vmem>>
    %dma_start3A_13 = arith.constant 0 : i32
    %dma_start3A_14 = arith.constant 0 : i32
    %dma_start3A_15 = tpu.memref_slice %arg2[%dma_start3A_13, %dma_start3A_14] : memref<20000x128xf32, #tpu.memory_space<hbm>> -> memref<20000x128xf32, #tpu.memory_space<hbm>>
    %dma_start3A_16 = tpu.memref_slice %arg11[%dma_start3A_5] : memref<2x!tpu.dma_semaphore, #tpu.memory_space<semaphore_mem>> -> memref<1x!tpu.dma_semaphore, #tpu.memory_space<semaphore_mem>>
    %dma_start3A_17 = tpu.memref_squeeze %dma_start3A_16 : memref<1x!tpu.dma_semaphore, #tpu.memory_space<semaphore_mem>> -> memref<!tpu.dma_semaphore, #tpu.memory_space<semaphore_mem>>
    tpu.enqueue_indirect_dma source(%dma_start3A_15 : memref<20000x128xf32, #tpu.memory_space<hbm>>) target(%dma_start3A_9 : memref<128x128xf32, #tpu.memory_space<vmem>>) offsets(%dma_start3A_12 : memref<128xi32, #tpu.memory_space<vmem>>) semaphore(%dma_start3A_17 : memref<!tpu.dma_semaphore, #tpu.memory_space<semaphore_mem>>)
    %scan3A = arith.constant 0 : i32
    %scan3A_18 = arith.constant 20 : i32
    %scan3A_19 = arith.addi %scan3A, %scan3A_18 : i32
    %scan3A_20 = arith.constant 1 : i32
    scf.for %scan3A_80 = %scan3A to %scan3A_19 step %scan3A_20  : i32 {
      %mul3A_81 = arith.constant 2 : i32
      %mul3A_82 = arith.muli %scan3A_80, %mul3A_81 : i32
      %add3A_83 = arith.constant 0 : i32
      %add3A_84 = arith.addi %add3A_83, %mul3A_82 : i32
      %add3A_85 = arith.constant 0 : i32
      %add3A_86 = arith.addi %add3A_84, %add3A_85 : i32
      %ge3A = arith.constant 1 : i32
      %ge3A_87 = arith.cmpi sge, %add3A_86, %ge3A : i32
      %convert_element_type3A = arith.extui %ge3A_87 : i1 to i32
      %cond3A = arith.constant 0 : i32
      %cond3A_88 = arith.cmpi ne, %convert_element_type3A, %cond3A : i32
      scf.if %cond3A_88 {
        %sub3A = arith.constant 1 : i32
        %sub3A_165 = arith.subi %add3A_86, %sub3A : i32
        %dma_wait3A_166 = arith.constant 1 : i32
        %dma_wait3A_167 = arith.constant 1 : i32
        %dma_wait3A_168 = arith.constant 0 : i32
        %dma_wait3A_169 = arith.constant 0 : i32
        %dma_wait3A_170 = tpu.memref_slice %arg9[%dma_wait3A_166, %dma_wait3A_168, %dma_wait3A_169] : memref<2x128x128xf32, #tpu.memory_space<vmem>> -> memref<1x128x128xf32, #tpu.memory_space<vmem>>
        %dma_wait3A_171 = tpu.memref_squeeze %dma_wait3A_170 : memref<1x128x128xf32, #tpu.memory_space<vmem>> -> memref<128x128xf32, #tpu.memory_space<vmem>>
        %dma_wait3A_172 = arith.constant 0 : i32
        %dma_wait3A_173 = tpu.memref_slice %arg8[%sub3A_165, %dma_wait3A_172] : memref<40x128xi32, #tpu.memory_space<vmem>> -> memref<1x128xi32, #tpu.memory_space<vmem>>
        %dma_wait3A_174 = tpu.memref_squeeze %dma_wait3A_173 : memref<1x128xi32, #tpu.memory_space<vmem>> -> memref<128xi32, #tpu.memory_space<vmem>>
        %dma_wait3A_175 = arith.constant 0 : i32
        %dma_wait3A_176 = arith.constant 0 : i32
        %dma_wait3A_177 = tpu.memref_slice %arg10[%dma_wait3A_175, %dma_wait3A_176] : memref<10240x128xf32, #tpu.memory_space<vmem_shared>> -> memref<10240x128xf32, #tpu.memory_space<vmem_shared>>
        %dma_wait3A_178 = tpu.memref_slice %arg12[%dma_wait3A_167] : memref<2x!tpu.dma_semaphore, #tpu.memory_space<semaphore_mem>> -> memref<1x!tpu.dma_semaphore, #tpu.memory_space<semaphore_mem>>
        %dma_wait3A_179 = tpu.memref_squeeze %dma_wait3A_178 : memref<1x!tpu.dma_semaphore, #tpu.memory_space<semaphore_mem>> -> memref<!tpu.dma_semaphore, #tpu.memory_space<semaphore_mem>>
        tpu.wait_indirect_dma semaphore(%dma_wait3A_179 : memref<!tpu.dma_semaphore, #tpu.memory_space<semaphore_mem>>) src(%dma_wait3A_171 : memref<128x128xf32, #tpu.memory_space<vmem>>) dst(%dma_wait3A_177 : memref<10240x128xf32, #tpu.memory_space<vmem_shared>>)
      } else {
      }
      %add3A_89 = arith.constant 1 : i32
      %add3A_90 = arith.addi %add3A_86, %add3A_89 : i32
      %lt3A = arith.constant 40 : i32
      %lt3A_91 = arith.cmpi slt, %add3A_90, %lt3A : i32
      %convert_element_type3A_92 = arith.extui %lt3A_91 : i1 to i32
      %cond3A_93 = arith.constant 0 : i32
      %cond3A_94 = arith.cmpi ne, %convert_element_type3A_92, %cond3A_93 : i32
      scf.if %cond3A_94 {
        %add3A_165 = arith.constant 1 : i32
        %add3A_166 = arith.addi %add3A_86, %add3A_165 : i32
        %dma_start3A_167 = arith.constant 1 : i32
        %dma_start3A_168 = arith.constant 1 : i32
        %dma_start3A_169 = arith.constant 0 : i32
        %dma_start3A_170 = arith.constant 0 : i32
        %dma_start3A_171 = tpu.memref_slice %arg9[%dma_start3A_167, %dma_start3A_169, %dma_start3A_170] : memref<2x128x128xf32, #tpu.memory_space<vmem>> -> memref<1x128x128xf32, #tpu.memory_space<vmem>>
        %dma_start3A_172 = tpu.memref_squeeze %dma_start3A_171 : memref<1x128x128xf32, #tpu.memory_space<vmem>> -> memref<128x128xf32, #tpu.memory_space<vmem>>
        %dma_start3A_173 = arith.constant 0 : i32
        %dma_start3A_174 = tpu.memref_slice %arg7[%add3A_166, %dma_start3A_173] : memref<40x128xi32, #tpu.memory_space<vmem>> -> memref<1x128xi32, #tpu.memory_space<vmem>>
        %dma_start3A_175 = tpu.memref_squeeze %dma_start3A_174 : memref<1x128xi32, #tpu.memory_space<vmem>> -> memref<128xi32, #tpu.memory_space<vmem>>
        %dma_start3A_176 = arith.constant 0 : i32
        %dma_start3A_177 = arith.constant 0 : i32
        %dma_start3A_178 = tpu.memref_slice %arg2[%dma_start3A_176, %dma_start3A_177] : memref<20000x128xf32, #tpu.memory_space<hbm>> -> memref<20000x128xf32, #tpu.memory_space<hbm>>
        %dma_start3A_179 = tpu.memref_slice %arg11[%dma_start3A_168] : memref<2x!tpu.dma_semaphore, #tpu.memory_space<semaphore_mem>> -> memref<1x!tpu.dma_semaphore, #tpu.memory_space<semaphore_mem>>
        %dma_start3A_180 = tpu.memref_squeeze %dma_start3A_179 : memref<1x!tpu.dma_semaphore, #tpu.memory_space<semaphore_mem>> -> memref<!tpu.dma_semaphore, #tpu.memory_space<semaphore_mem>>
        tpu.enqueue_indirect_dma source(%dma_start3A_178 : memref<20000x128xf32, #tpu.memory_space<hbm>>) target(%dma_start3A_172 : memref<128x128xf32, #tpu.memory_space<vmem>>) offsets(%dma_start3A_175 : memref<128xi32, #tpu.memory_space<vmem>>) semaphore(%dma_start3A_180 : memref<!tpu.dma_semaphore, #tpu.memory_space<semaphore_mem>>)
      } else {
      }
      %dma_wait3A_95 = arith.constant 0 : i32
      %dma_wait3A_96 = arith.constant 0 : i32
      %dma_wait3A_97 = arith.constant 0 : i32
      %dma_wait3A_98 = arith.constant 0 : i32
      %dma_wait3A_99 = tpu.memref_slice %arg9[%dma_wait3A_95, %dma_wait3A_97, %dma_wait3A_98] : memref<2x128x128xf32, #tpu.memory_space<vmem>> -> memref<1x128x128xf32, #tpu.memory_space<vmem>>
      %dma_wait3A_100 = tpu.memref_squeeze %dma_wait3A_99 : memref<1x128x128xf32, #tpu.memory_space<vmem>> -> memref<128x128xf32, #tpu.memory_space<vmem>>
      %dma_wait3A_101 = arith.constant 0 : i32
      %dma_wait3A_102 = tpu.memref_slice %arg7[%add3A_86, %dma_wait3A_101] : memref<40x128xi32, #tpu.memory_space<vmem>> -> memref<1x128xi32, #tpu.memory_space<vmem>>
      %dma_wait3A_103 = tpu.memref_squeeze %dma_wait3A_102 : memref<1x128xi32, #tpu.memory_space<vmem>> -> memref<128xi32, #tpu.memory_space<vmem>>
      %dma_wait3A_104 = arith.constant 0 : i32
      %dma_wait3A_105 = arith.constant 0 : i32
      %dma_wait3A_106 = tpu.memref_slice %arg2[%dma_wait3A_104, %dma_wait3A_105] : memref<20000x128xf32, #tpu.memory_space<hbm>> -> memref<20000x128xf32, #tpu.memory_space<hbm>>
      %dma_wait3A_107 = tpu.memref_slice %arg11[%dma_wait3A_96] : memref<2x!tpu.dma_semaphore, #tpu.memory_space<semaphore_mem>> -> memref<1x!tpu.dma_semaphore, #tpu.memory_space<semaphore_mem>>
      %dma_wait3A_108 = tpu.memref_squeeze %dma_wait3A_107 : memref<1x!tpu.dma_semaphore, #tpu.memory_space<semaphore_mem>> -> memref<!tpu.dma_semaphore, #tpu.memory_space<semaphore_mem>>
      tpu.wait_indirect_dma semaphore(%dma_wait3A_108 : memref<!tpu.dma_semaphore, #tpu.memory_space<semaphore_mem>>) src(%dma_wait3A_106 : memref<20000x128xf32, #tpu.memory_space<hbm>>) dst(%dma_wait3A_100 : memref<128x128xf32, #tpu.memory_space<vmem>>)
      %dma_start3A_109 = arith.constant 0 : i32
      %dma_start3A_110 = arith.constant 0 : i32
      %dma_start3A_111 = arith.constant 0 : i32
      %dma_start3A_112 = arith.constant 0 : i32
      %dma_start3A_113 = tpu.memref_slice %arg9[%dma_start3A_109, %dma_start3A_111, %dma_start3A_112] : memref<2x128x128xf32, #tpu.memory_space<vmem>> -> memref<1x128x128xf32, #tpu.memory_space<vmem>>
      %dma_start3A_114 = tpu.memref_squeeze %dma_start3A_113 : memref<1x128x128xf32, #tpu.memory_space<vmem>> -> memref<128x128xf32, #tpu.memory_space<vmem>>
      %dma_start3A_115 = arith.constant 0 : i32
      %dma_start3A_116 = tpu.memref_slice %arg8[%add3A_86, %dma_start3A_115] : memref<40x128xi32, #tpu.memory_space<vmem>> -> memref<1x128xi32, #tpu.memory_space<vmem>>
      %dma_start3A_117 = tpu.memref_squeeze %dma_start3A_116 : memref<1x128xi32, #tpu.memory_space<vmem>> -> memref<128xi32, #tpu.memory_space<vmem>>
      %dma_start3A_118 = arith.constant 0 : i32
      %dma_start3A_119 = arith.constant 0 : i32
      %dma_start3A_120 = tpu.memref_slice %arg10[%dma_start3A_118, %dma_start3A_119] : memref<10240x128xf32, #tpu.memory_space<vmem_shared>> -> memref<10240x128xf32, #tpu.memory_space<vmem_shared>>
      %dma_start3A_121 = tpu.memref_slice %arg12[%dma_start3A_110] : memref<2x!tpu.dma_semaphore, #tpu.memory_space<semaphore_mem>> -> memref<1x!tpu.dma_semaphore, #tpu.memory_space<semaphore_mem>>
      %dma_start3A_122 = tpu.memref_squeeze %dma_start3A_121 : memref<1x!tpu.dma_semaphore, #tpu.memory_space<semaphore_mem>> -> memref<!tpu.dma_semaphore, #tpu.memory_space<semaphore_mem>>
      tpu.enqueue_indirect_dma source(%dma_start3A_114 : memref<128x128xf32, #tpu.memory_space<vmem>>) target(%dma_start3A_120 : memref<10240x128xf32, #tpu.memory_space<vmem_shared>>) offsets(%dma_start3A_117 : memref<128xi32, #tpu.memory_space<vmem>>) semaphore(%dma_start3A_122 : memref<!tpu.dma_semaphore, #tpu.memory_space<semaphore_mem>>) {add = true}
      %add3A_123 = arith.constant 1 : i32
      %add3A_124 = arith.addi %add3A_84, %add3A_123 : i32
      %ge3A_125 = arith.constant 1 : i32
      %ge3A_126 = arith.cmpi sge, %add3A_124, %ge3A_125 : i32
      %convert_element_type3A_127 = arith.extui %ge3A_126 : i1 to i32
      %cond3A_128 = arith.constant 0 : i32
      %cond3A_129 = arith.cmpi ne, %convert_element_type3A_127, %cond3A_128 : i32
      scf.if %cond3A_129 {
        %sub3A = arith.constant 1 : i32
        %sub3A_165 = arith.subi %add3A_124, %sub3A : i32
        %dma_wait3A_166 = arith.constant 0 : i32
        %dma_wait3A_167 = arith.constant 0 : i32
        %dma_wait3A_168 = arith.constant 0 : i32
        %dma_wait3A_169 = arith.constant 0 : i32
        %dma_wait3A_170 = tpu.memref_slice %arg9[%dma_wait3A_166, %dma_wait3A_168, %dma_wait3A_169] : memref<2x128x128xf32, #tpu.memory_space<vmem>> -> memref<1x128x128xf32, #tpu.memory_space<vmem>>
        %dma_wait3A_171 = tpu.memref_squeeze %dma_wait3A_170 : memref<1x128x128xf32, #tpu.memory_space<vmem>> -> memref<128x128xf32, #tpu.memory_space<vmem>>
        %dma_wait3A_172 = arith.constant 0 : i32
        %dma_wait3A_173 = tpu.memref_slice %arg8[%sub3A_165, %dma_wait3A_172] : memref<40x128xi32, #tpu.memory_space<vmem>> -> memref<1x128xi32, #tpu.memory_space<vmem>>
        %dma_wait3A_174 = tpu.memref_squeeze %dma_wait3A_173 : memref<1x128xi32, #tpu.memory_space<vmem>> -> memref<128xi32, #tpu.memory_space<vmem>>
        %dma_wait3A_175 = arith.constant 0 : i32
        %dma_wait3A_176 = arith.constant 0 : i32
        %dma_wait3A_177 = tpu.memref_slice %arg10[%dma_wait3A_175, %dma_wait3A_176] : memref<10240x128xf32, #tpu.memory_space<vmem_shared>> -> memref<10240x128xf32, #tpu.memory_space<vmem_shared>>
        %dma_wait3A_178 = tpu.memref_slice %arg12[%dma_wait3A_167] : memref<2x!tpu.dma_semaphore, #tpu.memory_space<semaphore_mem>> -> memref<1x!tpu.dma_semaphore, #tpu.memory_space<semaphore_mem>>
        %dma_wait3A_179 = tpu.memref_squeeze %dma_wait3A_178 : memref<1x!tpu.dma_semaphore, #tpu.memory_space<semaphore_mem>> -> memref<!tpu.dma_semaphore, #tpu.memory_space<semaphore_mem>>
        tpu.wait_indirect_dma semaphore(%dma_wait3A_179 : memref<!tpu.dma_semaphore, #tpu.memory_space<semaphore_mem>>) src(%dma_wait3A_171 : memref<128x128xf32, #tpu.memory_space<vmem>>) dst(%dma_wait3A_177 : memref<10240x128xf32, #tpu.memory_space<vmem_shared>>)
      } else {
      }
      %add3A_130 = arith.constant 1 : i32
      %add3A_131 = arith.addi %add3A_124, %add3A_130 : i32
      %lt3A_132 = arith.constant 40 : i32
      %lt3A_133 = arith.cmpi slt, %add3A_131, %lt3A_132 : i32
      %convert_element_type3A_134 = arith.extui %lt3A_133 : i1 to i32
      %cond3A_135 = arith.constant 0 : i32
      %cond3A_136 = arith.cmpi ne, %convert_element_type3A_134, %cond3A_135 : i32
      scf.if %cond3A_136 {
        %add3A_165 = arith.constant 1 : i32
        %add3A_166 = arith.addi %add3A_124, %add3A_165 : i32
        %dma_start3A_167 = arith.constant 0 : i32
        %dma_start3A_168 = arith.constant 0 : i32
        %dma_start3A_169 = arith.constant 0 : i32
        %dma_start3A_170 = arith.constant 0 : i32
        %dma_start3A_171 = tpu.memref_slice %arg9[%dma_start3A_167, %dma_start3A_169, %dma_start3A_170] : memref<2x128x128xf32, #tpu.memory_space<vmem>> -> memref<1x128x128xf32, #tpu.memory_space<vmem>>
        %dma_start3A_172 = tpu.memref_squeeze %dma_start3A_171 : memref<1x128x128xf32, #tpu.memory_space<vmem>> -> memref<128x128xf32, #tpu.memory_space<vmem>>
        %dma_start3A_173 = arith.constant 0 : i32
        %dma_start3A_174 = tpu.memref_slice %arg7[%add3A_166, %dma_start3A_173] : memref<40x128xi32, #tpu.memory_space<vmem>> -> memref<1x128xi32, #tpu.memory_space<vmem>>
        %dma_start3A_175 = tpu.memref_squeeze %dma_start3A_174 : memref<1x128xi32, #tpu.memory_space<vmem>> -> memref<128xi32, #tpu.memory_space<vmem>>
        %dma_start3A_176 = arith.constant 0 : i32
        %dma_start3A_177 = arith.constant 0 : i32
        %dma_start3A_178 = tpu.memref_slice %arg2[%dma_start3A_176, %dma_start3A_177] : memref<20000x128xf32, #tpu.memory_space<hbm>> -> memref<20000x128xf32, #tpu.memory_space<hbm>>
        %dma_start3A_179 = tpu.memref_slice %arg11[%dma_start3A_168] : memref<2x!tpu.dma_semaphore, #tpu.memory_space<semaphore_mem>> -> memref<1x!tpu.dma_semaphore, #tpu.memory_space<semaphore_mem>>
        %dma_start3A_180 = tpu.memref_squeeze %dma_start3A_179 : memref<1x!tpu.dma_semaphore, #tpu.memory_space<semaphore_mem>> -> memref<!tpu.dma_semaphore, #tpu.memory_space<semaphore_mem>>
        tpu.enqueue_indirect_dma source(%dma_start3A_178 : memref<20000x128xf32, #tpu.memory_space<hbm>>) target(%dma_start3A_172 : memref<128x128xf32, #tpu.memory_space<vmem>>) offsets(%dma_start3A_175 : memref<128xi32, #tpu.memory_space<vmem>>) semaphore(%dma_start3A_180 : memref<!tpu.dma_semaphore, #tpu.memory_space<semaphore_mem>>)
      } else {
      }
      %dma_wait3A_137 = arith.constant 1 : i32
      %dma_wait3A_138 = arith.constant 1 : i32
      %dma_wait3A_139 = arith.constant 0 : i32
      %dma_wait3A_140 = arith.constant 0 : i32
      %dma_wait3A_141 = tpu.memref_slice %arg9[%dma_wait3A_137, %dma_wait3A_139, %dma_wait3A_140] : memref<2x128x128xf32, #tpu.memory_space<vmem>> -> memref<1x128x128xf32, #tpu.memory_space<vmem>>
      %dma_wait3A_142 = tpu.memref_squeeze %dma_wait3A_141 : memref<1x128x128xf32, #tpu.memory_space<vmem>> -> memref<128x128xf32, #tpu.memory_space<vmem>>
      %dma_wait3A_143 = arith.constant 0 : i32
      %dma_wait3A_144 = tpu.memref_slice %arg7[%add3A_124, %dma_wait3A_143] : memref<40x128xi32, #tpu.memory_space<vmem>> -> memref<1x128xi32, #tpu.memory_space<vmem>>
      %dma_wait3A_145 = tpu.memref_squeeze %dma_wait3A_144 : memref<1x128xi32, #tpu.memory_space<vmem>> -> memref<128xi32, #tpu.memory_space<vmem>>
      %dma_wait3A_146 = arith.constant 0 : i32
      %dma_wait3A_147 = arith.constant 0 : i32
      %dma_wait3A_148 = tpu.memref_slice %arg2[%dma_wait3A_146, %dma_wait3A_147] : memref<20000x128xf32, #tpu.memory_space<hbm>> -> memref<20000x128xf32, #tpu.memory_space<hbm>>
      %dma_wait3A_149 = tpu.memref_slice %arg11[%dma_wait3A_138] : memref<2x!tpu.dma_semaphore, #tpu.memory_space<semaphore_mem>> -> memref<1x!tpu.dma_semaphore, #tpu.memory_space<semaphore_mem>>
      %dma_wait3A_150 = tpu.memref_squeeze %dma_wait3A_149 : memref<1x!tpu.dma_semaphore, #tpu.memory_space<semaphore_mem>> -> memref<!tpu.dma_semaphore, #tpu.memory_space<semaphore_mem>>
      tpu.wait_indirect_dma semaphore(%dma_wait3A_150 : memref<!tpu.dma_semaphore, #tpu.memory_space<semaphore_mem>>) src(%dma_wait3A_148 : memref<20000x128xf32, #tpu.memory_space<hbm>>) dst(%dma_wait3A_142 : memref<128x128xf32, #tpu.memory_space<vmem>>)
      %dma_start3A_151 = arith.constant 1 : i32
      %dma_start3A_152 = arith.constant 1 : i32
      %dma_start3A_153 = arith.constant 0 : i32
      %dma_start3A_154 = arith.constant 0 : i32
      %dma_start3A_155 = tpu.memref_slice %arg9[%dma_start3A_151, %dma_start3A_153, %dma_start3A_154] : memref<2x128x128xf32, #tpu.memory_space<vmem>> -> memref<1x128x128xf32, #tpu.memory_space<vmem>>
      %dma_start3A_156 = tpu.memref_squeeze %dma_start3A_155 : memref<1x128x128xf32, #tpu.memory_space<vmem>> -> memref<128x128xf32, #tpu.memory_space<vmem>>
      %dma_start3A_157 = arith.constant 0 : i32
      %dma_start3A_158 = tpu.memref_slice %arg8[%add3A_124, %dma_start3A_157] : memref<40x128xi32, #tpu.memory_space<vmem>> -> memref<1x128xi32, #tpu.memory_space<vmem>>
      %dma_start3A_159 = tpu.memref_squeeze %dma_start3A_158 : memref<1x128xi32, #tpu.memory_space<vmem>> -> memref<128xi32, #tpu.memory_space<vmem>>
      %dma_start3A_160 = arith.constant 0 : i32
      %dma_start3A_161 = arith.constant 0 : i32
      %dma_start3A_162 = tpu.memref_slice %arg10[%dma_start3A_160, %dma_start3A_161] : memref<10240x128xf32, #tpu.memory_space<vmem_shared>> -> memref<10240x128xf32, #tpu.memory_space<vmem_shared>>
      %dma_start3A_163 = tpu.memref_slice %arg12[%dma_start3A_152] : memref<2x!tpu.dma_semaphore, #tpu.memory_space<semaphore_mem>> -> memref<1x!tpu.dma_semaphore, #tpu.memory_space<semaphore_mem>>
      %dma_start3A_164 = tpu.memref_squeeze %dma_start3A_163 : memref<1x!tpu.dma_semaphore, #tpu.memory_space<semaphore_mem>> -> memref<!tpu.dma_semaphore, #tpu.memory_space<semaphore_mem>>
      tpu.enqueue_indirect_dma source(%dma_start3A_156 : memref<128x128xf32, #tpu.memory_space<vmem>>) target(%dma_start3A_162 : memref<10240x128xf32, #tpu.memory_space<vmem_shared>>) offsets(%dma_start3A_159 : memref<128xi32, #tpu.memory_space<vmem>>) semaphore(%dma_start3A_164 : memref<!tpu.dma_semaphore, #tpu.memory_space<semaphore_mem>>) {add = true}
    }
    %scan3A_21 = arith.constant 20 : i32
    %dma_wait3A = arith.constant 1 : i32
    %dma_wait3A_22 = arith.constant 39 : i32
    %dma_wait3A_23 = arith.constant 1 : i32
    %dma_wait3A_24 = arith.constant 0 : i32
    %dma_wait3A_25 = arith.constant 0 : i32
    %dma_wait3A_26 = tpu.memref_slice %arg9[%dma_wait3A, %dma_wait3A_24, %dma_wait3A_25] : memref<2x128x128xf32, #tpu.memory_space<vmem>> -> memref<1x128x128xf32, #tpu.memory_space<vmem>>
    %dma_wait3A_27 = tpu.memref_squeeze %dma_wait3A_26 : memref<1x128x128xf32, #tpu.memory_space<vmem>> -> memref<128x128xf32, #tpu.memory_space<vmem>>
    %dma_wait3A_28 = arith.constant 0 : i32
    %dma_wait3A_29 = tpu.memref_slice %arg8[%dma_wait3A_22, %dma_wait3A_28] : memref<40x128xi32, #tpu.memory_space<vmem>> -> memref<1x128xi32, #tpu.memory_space<vmem>>
    %dma_wait3A_30 = tpu.memref_squeeze %dma_wait3A_29 : memref<1x128xi32, #tpu.memory_space<vmem>> -> memref<128xi32, #tpu.memory_space<vmem>>
    %dma_wait3A_31 = arith.constant 0 : i32
    %dma_wait3A_32 = arith.constant 0 : i32
    %dma_wait3A_33 = tpu.memref_slice %arg10[%dma_wait3A_31, %dma_wait3A_32] : memref<10240x128xf32, #tpu.memory_space<vmem_shared>> -> memref<10240x128xf32, #tpu.memory_space<vmem_shared>>
    %dma_wait3A_34 = tpu.memref_slice %arg12[%dma_wait3A_23] : memref<2x!tpu.dma_semaphore, #tpu.memory_space<semaphore_mem>> -> memref<1x!tpu.dma_semaphore, #tpu.memory_space<semaphore_mem>>
    %dma_wait3A_35 = tpu.memref_squeeze %dma_wait3A_34 : memref<1x!tpu.dma_semaphore, #tpu.memory_space<semaphore_mem>> -> memref<!tpu.dma_semaphore, #tpu.memory_space<semaphore_mem>>
    tpu.wait_indirect_dma semaphore(%dma_wait3A_35 : memref<!tpu.dma_semaphore, #tpu.memory_space<semaphore_mem>>) src(%dma_wait3A_27 : memref<128x128xf32, #tpu.memory_space<vmem>>) dst(%dma_wait3A_33 : memref<10240x128xf32, #tpu.memory_space<vmem_shared>>)
    %mul3A_36 = arith.constant 80 : i32
    %mul3A_37 = arith.muli %arg1, %mul3A_36 : i32
    %add3A_38 = arith.constant 40 : i32
    %add3A_39 = arith.addi %mul3A_37, %add3A_38 : i32
    "tpu.region"() ({
      %run_scoped3A = tpu.sem_alloc : memref<!tpu.dma_semaphore, #tpu.memory_space<semaphore_mem>>
      %dma_start3A_80 = arith.constant 0 : i32
      %dma_start3A_81 = tpu.memref_slice %arg3[%arg0, %add3A_39, %dma_start3A_80] : memref<2x1280x128xi32, #tpu.memory_space<hbm>> -> memref<1x40x128xi32, #tpu.memory_space<hbm>>
      %dma_start3A_82 = tpu.memref_squeeze %dma_start3A_81 : memref<1x40x128xi32, #tpu.memory_space<hbm>> -> memref<40x128xi32, #tpu.memory_space<hbm>>
      %dma_start3A_83 = arith.constant 0 : i32
      %dma_start3A_84 = tpu.memref_slice %arg3[%arg0, %add3A_39, %dma_start3A_83] : memref<2x1280x128xi32, #tpu.memory_space<hbm>> -> memref<1x40x128xi32, #tpu.memory_space<hbm>>
      %dma_start3A_85 = tpu.memref_squeeze %dma_start3A_84 : memref<1x40x128xi32, #tpu.memory_space<hbm>> -> memref<40x128xi32, #tpu.memory_space<hbm>>
      tpu.enqueue_dma source(%dma_start3A_85 : memref<40x128xi32, #tpu.memory_space<hbm>>) target(%arg7 : memref<40x128xi32, #tpu.memory_space<vmem>>) target_semaphore(%run_scoped3A : memref<!tpu.dma_semaphore, #tpu.memory_space<semaphore_mem>>)
      %dma_wait3A_86 = arith.constant 0 : i32
      %dma_wait3A_87 = tpu.memref_slice %arg3[%arg0, %add3A_39, %dma_wait3A_86] : memref<2x1280x128xi32, #tpu.memory_space<hbm>> -> memref<1x40x128xi32, #tpu.memory_space<hbm>>
      %dma_wait3A_88 = tpu.memref_squeeze %dma_wait3A_87 : memref<1x40x128xi32, #tpu.memory_space<hbm>> -> memref<40x128xi32, #tpu.memory_space<hbm>>
      %dma_wait3A_89 = arith.constant 0 : i32
      %dma_wait3A_90 = tpu.memref_slice %arg3[%arg0, %add3A_39, %dma_wait3A_89] : memref<2x1280x128xi32, #tpu.memory_space<hbm>> -> memref<1x40x128xi32, #tpu.memory_space<hbm>>
      %dma_wait3A_91 = tpu.memref_squeeze %dma_wait3A_90 : memref<1x40x128xi32, #tpu.memory_space<hbm>> -> memref<40x128xi32, #tpu.memory_space<hbm>>
      tpu.wait_dma2 semaphore(%run_scoped3A : memref<!tpu.dma_semaphore, #tpu.memory_space<semaphore_mem>>) src(%dma_wait3A_91 : memref<40x128xi32, #tpu.memory_space<hbm>>) dst(%arg7 : memref<40x128xi32, #tpu.memory_space<vmem>>)
      tpu.yield
    }) : () -> ()
    "tpu.region"() ({
      %run_scoped3A = tpu.sem_alloc : memref<!tpu.dma_semaphore, #tpu.memory_space<semaphore_mem>>
      %dma_start3A_80 = arith.constant 0 : i32
      %dma_start3A_81 = tpu.memref_slice %arg4[%add3A_39, %dma_start3A_80] : memref<1280x128xi32, #tpu.memory_space<hbm>> -> memref<40x128xi32, #tpu.memory_space<hbm>>
      %dma_start3A_82 = arith.constant 0 : i32
      %dma_start3A_83 = tpu.memref_slice %arg4[%add3A_39, %dma_start3A_82] : memref<1280x128xi32, #tpu.memory_space<hbm>> -> memref<40x128xi32, #tpu.memory_space<hbm>>
      tpu.enqueue_dma source(%dma_start3A_83 : memref<40x128xi32, #tpu.memory_space<hbm>>) target(%arg8 : memref<40x128xi32, #tpu.memory_space<vmem>>) target_semaphore(%run_scoped3A : memref<!tpu.dma_semaphore, #tpu.memory_space<semaphore_mem>>)
      %dma_wait3A_84 = arith.constant 0 : i32
      %dma_wait3A_85 = tpu.memref_slice %arg4[%add3A_39, %dma_wait3A_84] : memref<1280x128xi32, #tpu.memory_space<hbm>> -> memref<40x128xi32, #tpu.memory_space<hbm>>
      %dma_wait3A_86 = arith.constant 0 : i32
      %dma_wait3A_87 = tpu.memref_slice %arg4[%add3A_39, %dma_wait3A_86] : memref<1280x128xi32, #tpu.memory_space<hbm>> -> memref<40x128xi32, #tpu.memory_space<hbm>>
      tpu.wait_dma2 semaphore(%run_scoped3A : memref<!tpu.dma_semaphore, #tpu.memory_space<semaphore_mem>>) src(%dma_wait3A_87 : memref<40x128xi32, #tpu.memory_space<hbm>>) dst(%arg8 : memref<40x128xi32, #tpu.memory_space<vmem>>)
      tpu.yield
    }) : () -> ()
    %dma_start3A_40 = arith.constant 0 : i32
    %dma_start3A_41 = arith.constant 0 : i32
    %dma_start3A_42 = arith.constant 0 : i32
    %dma_start3A_43 = arith.constant 0 : i32
    %dma_start3A_44 = arith.constant 0 : i32
    %dma_start3A_45 = tpu.memref_slice %arg9[%dma_start3A_41, %dma_start3A_43, %dma_start3A_44] : memref<2x128x128xf32, #tpu.memory_space<vmem>> -> memref<1x128x128xf32, #tpu.memory_space<vmem>>
    %dma_start3A_46 = tpu.memref_squeeze %dma_start3A_45 : memref<1x128x128xf32, #tpu.memory_space<vmem>> -> memref<128x128xf32, #tpu.memory_space<vmem>>
    %dma_start3A_47 = arith.constant 0 : i32
    %dma_start3A_48 = tpu.memref_slice %arg7[%dma_start3A_40, %dma_start3A_47] : memref<40x128xi32, #tpu.memory_space<vmem>> -> memref<1x128xi32, #tpu.memory_space<vmem>>
    %dma_start3A_49 = tpu.memref_squeeze %dma_start3A_48 : memref<1x128xi32, #tpu.memory_space<vmem>> -> memref<128xi32, #tpu.memory_space<vmem>>
    %dma_start3A_50 = arith.constant 0 : i32
    %dma_start3A_51 = arith.constant 0 : i32
    %dma_start3A_52 = tpu.memref_slice %arg2[%dma_start3A_50, %dma_start3A_51] : memref<20000x128xf32, #tpu.memory_space<hbm>> -> memref<20000x128xf32, #tpu.memory_space<hbm>>
    %dma_start3A_53 = tpu.memref_slice %arg11[%dma_start3A_42] : memref<2x!tpu.dma_semaphore, #tpu.memory_space<semaphore_mem>> -> memref<1x!tpu.dma_semaphore, #tpu.memory_space<semaphore_mem>>
    %dma_start3A_54 = tpu.memref_squeeze %dma_start3A_53 : memref<1x!tpu.dma_semaphore, #tpu.memory_space<semaphore_mem>> -> memref<!tpu.dma_semaphore, #tpu.memory_space<semaphore_mem>>
    tpu.enqueue_indirect_dma source(%dma_start3A_52 : memref<20000x128xf32, #tpu.memory_space<hbm>>) target(%dma_start3A_46 : memref<128x128xf32, #tpu.memory_space<vmem>>) offsets(%dma_start3A_49 : memref<128xi32, #tpu.memory_space<vmem>>) semaphore(%dma_start3A_54 : memref<!tpu.dma_semaphore, #tpu.memory_space<semaphore_mem>>)
    %scan3A_55 = arith.constant 0 : i32
    %scan3A_56 = arith.constant 20 : i32
    %scan3A_57 = arith.addi %scan3A_55, %scan3A_56 : i32
    %scan3A_58 = arith.constant 1 : i32
    scf.for %scan3A_80 = %scan3A_55 to %scan3A_57 step %scan3A_58  : i32 {
      %mul3A_81 = arith.constant 2 : i32
      %mul3A_82 = arith.muli %scan3A_80, %mul3A_81 : i32
      %add3A_83 = arith.constant 0 : i32
      %add3A_84 = arith.addi %add3A_83, %mul3A_82 : i32
      %add3A_85 = arith.constant 0 : i32
      %add3A_86 = arith.addi %add3A_84, %add3A_85 : i32
      %ge3A = arith.constant 1 : i32
      %ge3A_87 = arith.cmpi sge, %add3A_86, %ge3A : i32
      %convert_element_type3A = arith.extui %ge3A_87 : i1 to i32
      %cond3A = arith.constant 0 : i32
      %cond3A_88 = arith.cmpi ne, %convert_element_type3A, %cond3A : i32
      scf.if %cond3A_88 {
        %sub3A = arith.constant 1 : i32
        %sub3A_165 = arith.subi %add3A_86, %sub3A : i32
        %dma_wait3A_166 = arith.constant 1 : i32
        %dma_wait3A_167 = arith.constant 1 : i32
        %dma_wait3A_168 = arith.constant 0 : i32
        %dma_wait3A_169 = arith.constant 0 : i32
        %dma_wait3A_170 = tpu.memref_slice %arg9[%dma_wait3A_166, %dma_wait3A_168, %dma_wait3A_169] : memref<2x128x128xf32, #tpu.memory_space<vmem>> -> memref<1x128x128xf32, #tpu.memory_space<vmem>>
        %dma_wait3A_171 = tpu.memref_squeeze %dma_wait3A_170 : memref<1x128x128xf32, #tpu.memory_space<vmem>> -> memref<128x128xf32, #tpu.memory_space<vmem>>
        %dma_wait3A_172 = arith.constant 0 : i32
        %dma_wait3A_173 = tpu.memref_slice %arg8[%sub3A_165, %dma_wait3A_172] : memref<40x128xi32, #tpu.memory_space<vmem>> -> memref<1x128xi32, #tpu.memory_space<vmem>>
        %dma_wait3A_174 = tpu.memref_squeeze %dma_wait3A_173 : memref<1x128xi32, #tpu.memory_space<vmem>> -> memref<128xi32, #tpu.memory_space<vmem>>
        %dma_wait3A_175 = arith.constant 0 : i32
        %dma_wait3A_176 = arith.constant 0 : i32
        %dma_wait3A_177 = tpu.memref_slice %arg10[%dma_wait3A_175, %dma_wait3A_176] : memref<10240x128xf32, #tpu.memory_space<vmem_shared>> -> memref<10240x128xf32, #tpu.memory_space<vmem_shared>>
        %dma_wait3A_178 = tpu.memref_slice %arg12[%dma_wait3A_167] : memref<2x!tpu.dma_semaphore, #tpu.memory_space<semaphore_mem>> -> memref<1x!tpu.dma_semaphore, #tpu.memory_space<semaphore_mem>>
        %dma_wait3A_179 = tpu.memref_squeeze %dma_wait3A_178 : memref<1x!tpu.dma_semaphore, #tpu.memory_space<semaphore_mem>> -> memref<!tpu.dma_semaphore, #tpu.memory_space<semaphore_mem>>
        tpu.wait_indirect_dma semaphore(%dma_wait3A_179 : memref<!tpu.dma_semaphore, #tpu.memory_space<semaphore_mem>>) src(%dma_wait3A_171 : memref<128x128xf32, #tpu.memory_space<vmem>>) dst(%dma_wait3A_177 : memref<10240x128xf32, #tpu.memory_space<vmem_shared>>)
      } else {
      }
      %add3A_89 = arith.constant 1 : i32
      %add3A_90 = arith.addi %add3A_86, %add3A_89 : i32
      %lt3A = arith.constant 40 : i32
      %lt3A_91 = arith.cmpi slt, %add3A_90, %lt3A : i32
      %convert_element_type3A_92 = arith.extui %lt3A_91 : i1 to i32
      %cond3A_93 = arith.constant 0 : i32
      %cond3A_94 = arith.cmpi ne, %convert_element_type3A_92, %cond3A_93 : i32
      scf.if %cond3A_94 {
        %add3A_165 = arith.constant 1 : i32
        %add3A_166 = arith.addi %add3A_86, %add3A_165 : i32
        %dma_start3A_167 = arith.constant 1 : i32
        %dma_start3A_168 = arith.constant 1 : i32
        %dma_start3A_169 = arith.constant 0 : i32
        %dma_start3A_170 = arith.constant 0 : i32
        %dma_start3A_171 = tpu.memref_slice %arg9[%dma_start3A_167, %dma_start3A_169, %dma_start3A_170] : memref<2x128x128xf32, #tpu.memory_space<vmem>> -> memref<1x128x128xf32, #tpu.memory_space<vmem>>
        %dma_start3A_172 = tpu.memref_squeeze %dma_start3A_171 : memref<1x128x128xf32, #tpu.memory_space<vmem>> -> memref<128x128xf32, #tpu.memory_space<vmem>>
        %dma_start3A_173 = arith.constant 0 : i32
        %dma_start3A_174 = tpu.memref_slice %arg7[%add3A_166, %dma_start3A_173] : memref<40x128xi32, #tpu.memory_space<vmem>> -> memref<1x128xi32, #tpu.memory_space<vmem>>
        %dma_start3A_175 = tpu.memref_squeeze %dma_start3A_174 : memref<1x128xi32, #tpu.memory_space<vmem>> -> memref<128xi32, #tpu.memory_space<vmem>>
        %dma_start3A_176 = arith.constant 0 : i32
        %dma_start3A_177 = arith.constant 0 : i32
        %dma_start3A_178 = tpu.memref_slice %arg2[%dma_start3A_176, %dma_start3A_177] : memref<20000x128xf32, #tpu.memory_space<hbm>> -> memref<20000x128xf32, #tpu.memory_space<hbm>>
        %dma_start3A_179 = tpu.memref_slice %arg11[%dma_start3A_168] : memref<2x!tpu.dma_semaphore, #tpu.memory_space<semaphore_mem>> -> memref<1x!tpu.dma_semaphore, #tpu.memory_space<semaphore_mem>>
        %dma_start3A_180 = tpu.memref_squeeze %dma_start3A_179 : memref<1x!tpu.dma_semaphore, #tpu.memory_space<semaphore_mem>> -> memref<!tpu.dma_semaphore, #tpu.memory_space<semaphore_mem>>
        tpu.enqueue_indirect_dma source(%dma_start3A_178 : memref<20000x128xf32, #tpu.memory_space<hbm>>) target(%dma_start3A_172 : memref<128x128xf32, #tpu.memory_space<vmem>>) offsets(%dma_start3A_175 : memref<128xi32, #tpu.memory_space<vmem>>) semaphore(%dma_start3A_180 : memref<!tpu.dma_semaphore, #tpu.memory_space<semaphore_mem>>)
      } else {
      }
      %dma_wait3A_95 = arith.constant 0 : i32
      %dma_wait3A_96 = arith.constant 0 : i32
      %dma_wait3A_97 = arith.constant 0 : i32
      %dma_wait3A_98 = arith.constant 0 : i32
      %dma_wait3A_99 = tpu.memref_slice %arg9[%dma_wait3A_95, %dma_wait3A_97, %dma_wait3A_98] : memref<2x128x128xf32, #tpu.memory_space<vmem>> -> memref<1x128x128xf32, #tpu.memory_space<vmem>>
      %dma_wait3A_100 = tpu.memref_squeeze %dma_wait3A_99 : memref<1x128x128xf32, #tpu.memory_space<vmem>> -> memref<128x128xf32, #tpu.memory_space<vmem>>
      %dma_wait3A_101 = arith.constant 0 : i32
      %dma_wait3A_102 = tpu.memref_slice %arg7[%add3A_86, %dma_wait3A_101] : memref<40x128xi32, #tpu.memory_space<vmem>> -> memref<1x128xi32, #tpu.memory_space<vmem>>
      %dma_wait3A_103 = tpu.memref_squeeze %dma_wait3A_102 : memref<1x128xi32, #tpu.memory_space<vmem>> -> memref<128xi32, #tpu.memory_space<vmem>>
      %dma_wait3A_104 = arith.constant 0 : i32
      %dma_wait3A_105 = arith.constant 0 : i32
      %dma_wait3A_106 = tpu.memref_slice %arg2[%dma_wait3A_104, %dma_wait3A_105] : memref<20000x128xf32, #tpu.memory_space<hbm>> -> memref<20000x128xf32, #tpu.memory_space<hbm>>
      %dma_wait3A_107 = tpu.memref_slice %arg11[%dma_wait3A_96] : memref<2x!tpu.dma_semaphore, #tpu.memory_space<semaphore_mem>> -> memref<1x!tpu.dma_semaphore, #tpu.memory_space<semaphore_mem>>
      %dma_wait3A_108 = tpu.memref_squeeze %dma_wait3A_107 : memref<1x!tpu.dma_semaphore, #tpu.memory_space<semaphore_mem>> -> memref<!tpu.dma_semaphore, #tpu.memory_space<semaphore_mem>>
      tpu.wait_indirect_dma semaphore(%dma_wait3A_108 : memref<!tpu.dma_semaphore, #tpu.memory_space<semaphore_mem>>) src(%dma_wait3A_106 : memref<20000x128xf32, #tpu.memory_space<hbm>>) dst(%dma_wait3A_100 : memref<128x128xf32, #tpu.memory_space<vmem>>)
      %dma_start3A_109 = arith.constant 0 : i32
      %dma_start3A_110 = arith.constant 0 : i32
      %dma_start3A_111 = arith.constant 0 : i32
      %dma_start3A_112 = arith.constant 0 : i32
      %dma_start3A_113 = tpu.memref_slice %arg9[%dma_start3A_109, %dma_start3A_111, %dma_start3A_112] : memref<2x128x128xf32, #tpu.memory_space<vmem>> -> memref<1x128x128xf32, #tpu.memory_space<vmem>>
      %dma_start3A_114 = tpu.memref_squeeze %dma_start3A_113 : memref<1x128x128xf32, #tpu.memory_space<vmem>> -> memref<128x128xf32, #tpu.memory_space<vmem>>
      %dma_start3A_115 = arith.constant 0 : i32
      %dma_start3A_116 = tpu.memref_slice %arg8[%add3A_86, %dma_start3A_115] : memref<40x128xi32, #tpu.memory_space<vmem>> -> memref<1x128xi32, #tpu.memory_space<vmem>>
      %dma_start3A_117 = tpu.memref_squeeze %dma_start3A_116 : memref<1x128xi32, #tpu.memory_space<vmem>> -> memref<128xi32, #tpu.memory_space<vmem>>
      %dma_start3A_118 = arith.constant 0 : i32
      %dma_start3A_119 = arith.constant 0 : i32
      %dma_start3A_120 = tpu.memref_slice %arg10[%dma_start3A_118, %dma_start3A_119] : memref<10240x128xf32, #tpu.memory_space<vmem_shared>> -> memref<10240x128xf32, #tpu.memory_space<vmem_shared>>
      %dma_start3A_121 = tpu.memref_slice %arg12[%dma_start3A_110] : memref<2x!tpu.dma_semaphore, #tpu.memory_space<semaphore_mem>> -> memref<1x!tpu.dma_semaphore, #tpu.memory_space<semaphore_mem>>
      %dma_start3A_122 = tpu.memref_squeeze %dma_start3A_121 : memref<1x!tpu.dma_semaphore, #tpu.memory_space<semaphore_mem>> -> memref<!tpu.dma_semaphore, #tpu.memory_space<semaphore_mem>>
      tpu.enqueue_indirect_dma source(%dma_start3A_114 : memref<128x128xf32, #tpu.memory_space<vmem>>) target(%dma_start3A_120 : memref<10240x128xf32, #tpu.memory_space<vmem_shared>>) offsets(%dma_start3A_117 : memref<128xi32, #tpu.memory_space<vmem>>) semaphore(%dma_start3A_122 : memref<!tpu.dma_semaphore, #tpu.memory_space<semaphore_mem>>) {add = true}
      %add3A_123 = arith.constant 1 : i32
      %add3A_124 = arith.addi %add3A_84, %add3A_123 : i32
      %ge3A_125 = arith.constant 1 : i32
      %ge3A_126 = arith.cmpi sge, %add3A_124, %ge3A_125 : i32
      %convert_element_type3A_127 = arith.extui %ge3A_126 : i1 to i32
      %cond3A_128 = arith.constant 0 : i32
      %cond3A_129 = arith.cmpi ne, %convert_element_type3A_127, %cond3A_128 : i32
      scf.if %cond3A_129 {
        %sub3A = arith.constant 1 : i32
        %sub3A_165 = arith.subi %add3A_124, %sub3A : i32
        %dma_wait3A_166 = arith.constant 0 : i32
        %dma_wait3A_167 = arith.constant 0 : i32
        %dma_wait3A_168 = arith.constant 0 : i32
        %dma_wait3A_169 = arith.constant 0 : i32
        %dma_wait3A_170 = tpu.memref_slice %arg9[%dma_wait3A_166, %dma_wait3A_168, %dma_wait3A_169] : memref<2x128x128xf32, #tpu.memory_space<vmem>> -> memref<1x128x128xf32, #tpu.memory_space<vmem>>
        %dma_wait3A_171 = tpu.memref_squeeze %dma_wait3A_170 : memref<1x128x128xf32, #tpu.memory_space<vmem>> -> memref<128x128xf32, #tpu.memory_space<vmem>>
        %dma_wait3A_172 = arith.constant 0 : i32
        %dma_wait3A_173 = tpu.memref_slice %arg8[%sub3A_165, %dma_wait3A_172] : memref<40x128xi32, #tpu.memory_space<vmem>> -> memref<1x128xi32, #tpu.memory_space<vmem>>
        %dma_wait3A_174 = tpu.memref_squeeze %dma_wait3A_173 : memref<1x128xi32, #tpu.memory_space<vmem>> -> memref<128xi32, #tpu.memory_space<vmem>>
        %dma_wait3A_175 = arith.constant 0 : i32
        %dma_wait3A_176 = arith.constant 0 : i32
        %dma_wait3A_177 = tpu.memref_slice %arg10[%dma_wait3A_175, %dma_wait3A_176] : memref<10240x128xf32, #tpu.memory_space<vmem_shared>> -> memref<10240x128xf32, #tpu.memory_space<vmem_shared>>
        %dma_wait3A_178 = tpu.memref_slice %arg12[%dma_wait3A_167] : memref<2x!tpu.dma_semaphore, #tpu.memory_space<semaphore_mem>> -> memref<1x!tpu.dma_semaphore, #tpu.memory_space<semaphore_mem>>
        %dma_wait3A_179 = tpu.memref_squeeze %dma_wait3A_178 : memref<1x!tpu.dma_semaphore, #tpu.memory_space<semaphore_mem>> -> memref<!tpu.dma_semaphore, #tpu.memory_space<semaphore_mem>>
        tpu.wait_indirect_dma semaphore(%dma_wait3A_179 : memref<!tpu.dma_semaphore, #tpu.memory_space<semaphore_mem>>) src(%dma_wait3A_171 : memref<128x128xf32, #tpu.memory_space<vmem>>) dst(%dma_wait3A_177 : memref<10240x128xf32, #tpu.memory_space<vmem_shared>>)
      } else {
      }
      %add3A_130 = arith.constant 1 : i32
      %add3A_131 = arith.addi %add3A_124, %add3A_130 : i32
      %lt3A_132 = arith.constant 40 : i32
      %lt3A_133 = arith.cmpi slt, %add3A_131, %lt3A_132 : i32
      %convert_element_type3A_134 = arith.extui %lt3A_133 : i1 to i32
      %cond3A_135 = arith.constant 0 : i32
      %cond3A_136 = arith.cmpi ne, %convert_element_type3A_134, %cond3A_135 : i32
      scf.if %cond3A_136 {
        %add3A_165 = arith.constant 1 : i32
        %add3A_166 = arith.addi %add3A_124, %add3A_165 : i32
        %dma_start3A_167 = arith.constant 0 : i32
        %dma_start3A_168 = arith.constant 0 : i32
        %dma_start3A_169 = arith.constant 0 : i32
        %dma_start3A_170 = arith.constant 0 : i32
        %dma_start3A_171 = tpu.memref_slice %arg9[%dma_start3A_167, %dma_start3A_169, %dma_start3A_170] : memref<2x128x128xf32, #tpu.memory_space<vmem>> -> memref<1x128x128xf32, #tpu.memory_space<vmem>>
        %dma_start3A_172 = tpu.memref_squeeze %dma_start3A_171 : memref<1x128x128xf32, #tpu.memory_space<vmem>> -> memref<128x128xf32, #tpu.memory_space<vmem>>
        %dma_start3A_173 = arith.constant 0 : i32
        %dma_start3A_174 = tpu.memref_slice %arg7[%add3A_166, %dma_start3A_173] : memref<40x128xi32, #tpu.memory_space<vmem>> -> memref<1x128xi32, #tpu.memory_space<vmem>>
        %dma_start3A_175 = tpu.memref_squeeze %dma_start3A_174 : memref<1x128xi32, #tpu.memory_space<vmem>> -> memref<128xi32, #tpu.memory_space<vmem>>
        %dma_start3A_176 = arith.constant 0 : i32
        %dma_start3A_177 = arith.constant 0 : i32
        %dma_start3A_178 = tpu.memref_slice %arg2[%dma_start3A_176, %dma_start3A_177] : memref<20000x128xf32, #tpu.memory_space<hbm>> -> memref<20000x128xf32, #tpu.memory_space<hbm>>
        %dma_start3A_179 = tpu.memref_slice %arg11[%dma_start3A_168] : memref<2x!tpu.dma_semaphore, #tpu.memory_space<semaphore_mem>> -> memref<1x!tpu.dma_semaphore, #tpu.memory_space<semaphore_mem>>
        %dma_start3A_180 = tpu.memref_squeeze %dma_start3A_179 : memref<1x!tpu.dma_semaphore, #tpu.memory_space<semaphore_mem>> -> memref<!tpu.dma_semaphore, #tpu.memory_space<semaphore_mem>>
        tpu.enqueue_indirect_dma source(%dma_start3A_178 : memref<20000x128xf32, #tpu.memory_space<hbm>>) target(%dma_start3A_172 : memref<128x128xf32, #tpu.memory_space<vmem>>) offsets(%dma_start3A_175 : memref<128xi32, #tpu.memory_space<vmem>>) semaphore(%dma_start3A_180 : memref<!tpu.dma_semaphore, #tpu.memory_space<semaphore_mem>>)
      } else {
      }
      %dma_wait3A_137 = arith.constant 1 : i32
      %dma_wait3A_138 = arith.constant 1 : i32
      %dma_wait3A_139 = arith.constant 0 : i32
      %dma_wait3A_140 = arith.constant 0 : i32
      %dma_wait3A_141 = tpu.memref_slice %arg9[%dma_wait3A_137, %dma_wait3A_139, %dma_wait3A_140] : memref<2x128x128xf32, #tpu.memory_space<vmem>> -> memref<1x128x128xf32, #tpu.memory_space<vmem>>
      %dma_wait3A_142 = tpu.memref_squeeze %dma_wait3A_141 : memref<1x128x128xf32, #tpu.memory_space<vmem>> -> memref<128x128xf32, #tpu.memory_space<vmem>>
      %dma_wait3A_143 = arith.constant 0 : i32
      %dma_wait3A_144 = tpu.memref_slice %arg7[%add3A_124, %dma_wait3A_143] : memref<40x128xi32, #tpu.memory_space<vmem>> -> memref<1x128xi32, #tpu.memory_space<vmem>>
      %dma_wait3A_145 = tpu.memref_squeeze %dma_wait3A_144 : memref<1x128xi32, #tpu.memory_space<vmem>> -> memref<128xi32, #tpu.memory_space<vmem>>
      %dma_wait3A_146 = arith.constant 0 : i32
      %dma_wait3A_147 = arith.constant 0 : i32
      %dma_wait3A_148 = tpu.memref_slice %arg2[%dma_wait3A_146, %dma_wait3A_147] : memref<20000x128xf32, #tpu.memory_space<hbm>> -> memref<20000x128xf32, #tpu.memory_space<hbm>>
      %dma_wait3A_149 = tpu.memref_slice %arg11[%dma_wait3A_138] : memref<2x!tpu.dma_semaphore, #tpu.memory_space<semaphore_mem>> -> memref<1x!tpu.dma_semaphore, #tpu.memory_space<semaphore_mem>>
      %dma_wait3A_150 = tpu.memref_squeeze %dma_wait3A_149 : memref<1x!tpu.dma_semaphore, #tpu.memory_space<semaphore_mem>> -> memref<!tpu.dma_semaphore, #tpu.memory_space<semaphore_mem>>
      tpu.wait_indirect_dma semaphore(%dma_wait3A_150 : memref<!tpu.dma_semaphore, #tpu.memory_space<semaphore_mem>>) src(%dma_wait3A_148 : memref<20000x128xf32, #tpu.memory_space<hbm>>) dst(%dma_wait3A_142 : memref<128x128xf32, #tpu.memory_space<vmem>>)
      %dma_start3A_151 = arith.constant 1 : i32
      %dma_start3A_152 = arith.constant 1 : i32
      %dma_start3A_153 = arith.constant 0 : i32
      %dma_start3A_154 = arith.constant 0 : i32
      %dma_start3A_155 = tpu.memref_slice %arg9[%dma_start3A_151, %dma_start3A_153, %dma_start3A_154] : memref<2x128x128xf32, #tpu.memory_space<vmem>> -> memref<1x128x128xf32, #tpu.memory_space<vmem>>
      %dma_start3A_156 = tpu.memref_squeeze %dma_start3A_155 : memref<1x128x128xf32, #tpu.memory_space<vmem>> -> memref<128x128xf32, #tpu.memory_space<vmem>>
      %dma_start3A_157 = arith.constant 0 : i32
      %dma_start3A_158 = tpu.memref_slice %arg8[%add3A_124, %dma_start3A_157] : memref<40x128xi32, #tpu.memory_space<vmem>> -> memref<1x128xi32, #tpu.memory_space<vmem>>
      %dma_start3A_159 = tpu.memref_squeeze %dma_start3A_158 : memref<1x128xi32, #tpu.memory_space<vmem>> -> memref<128xi32, #tpu.memory_space<vmem>>
      %dma_start3A_160 = arith.constant 0 : i32
      %dma_start3A_161 = arith.constant 0 : i32
      %dma_start3A_162 = tpu.memref_slice %arg10[%dma_start3A_160, %dma_start3A_161] : memref<10240x128xf32, #tpu.memory_space<vmem_shared>> -> memref<10240x128xf32, #tpu.memory_space<vmem_shared>>
      %dma_start3A_163 = tpu.memref_slice %arg12[%dma_start3A_152] : memref<2x!tpu.dma_semaphore, #tpu.memory_space<semaphore_mem>> -> memref<1x!tpu.dma_semaphore, #tpu.memory_space<semaphore_mem>>
      %dma_start3A_164 = tpu.memref_squeeze %dma_start3A_163 : memref<1x!tpu.dma_semaphore, #tpu.memory_space<semaphore_mem>> -> memref<!tpu.dma_semaphore, #tpu.memory_space<semaphore_mem>>
      tpu.enqueue_indirect_dma source(%dma_start3A_156 : memref<128x128xf32, #tpu.memory_space<vmem>>) target(%dma_start3A_162 : memref<10240x128xf32, #tpu.memory_space<vmem_shared>>) offsets(%dma_start3A_159 : memref<128xi32, #tpu.memory_space<vmem>>) semaphore(%dma_start3A_164 : memref<!tpu.dma_semaphore, #tpu.memory_space<semaphore_mem>>) {add = true}
    }
    %scan3A_59 = arith.constant 20 : i32
    %dma_wait3A_60 = arith.constant 1 : i32
    %dma_wait3A_61 = arith.constant 39 : i32
    %dma_wait3A_62 = arith.constant 1 : i32
    %dma_wait3A_63 = arith.constant 0 : i32
    %dma_wait3A_64 = arith.constant 0 : i32
    %dma_wait3A_65 = tpu.memref_slice %arg9[%dma_wait3A_60, %dma_wait3A_63, %dma_wait3A_64] : memref<2x128x128xf32, #tpu.memory_space<vmem>> -> memref<1x128x128xf32, #tpu.memory_space<vmem>>
    %dma_wait3A_66 = tpu.memref_squeeze %dma_wait3A_65 : memref<1x128x128xf32, #tpu.memory_space<vmem>> -> memref<128x128xf32, #tpu.memory_space<vmem>>
    %dma_wait3A_67 = arith.constant 0 : i32
    %dma_wait3A_68 = tpu.memref_slice %arg8[%dma_wait3A_61, %dma_wait3A_67] : memref<40x128xi32, #tpu.memory_space<vmem>> -> memref<1x128xi32, #tpu.memory_space<vmem>>
    %dma_wait3A_69 = tpu.memref_squeeze %dma_wait3A_68 : memref<1x128xi32, #tpu.memory_space<vmem>> -> memref<128xi32, #tpu.memory_space<vmem>>
    %dma_wait3A_70 = arith.constant 0 : i32
    %dma_wait3A_71 = arith.constant 0 : i32
    %dma_wait3A_72 = tpu.memref_slice %arg10[%dma_wait3A_70, %dma_wait3A_71] : memref<10240x128xf32, #tpu.memory_space<vmem_shared>> -> memref<10240x128xf32, #tpu.memory_space<vmem_shared>>
    %dma_wait3A_73 = tpu.memref_slice %arg12[%dma_wait3A_62] : memref<2x!tpu.dma_semaphore, #tpu.memory_space<semaphore_mem>> -> memref<1x!tpu.dma_semaphore, #tpu.memory_space<semaphore_mem>>
    %dma_wait3A_74 = tpu.memref_squeeze %dma_wait3A_73 : memref<1x!tpu.dma_semaphore, #tpu.memory_space<semaphore_mem>> -> memref<!tpu.dma_semaphore, #tpu.memory_space<semaphore_mem>>
    tpu.wait_indirect_dma semaphore(%dma_wait3A_74 : memref<!tpu.dma_semaphore, #tpu.memory_space<semaphore_mem>>) src(%dma_wait3A_66 : memref<128x128xf32, #tpu.memory_space<vmem>>) dst(%dma_wait3A_72 : memref<10240x128xf32, #tpu.memory_space<vmem_shared>>)
    %barrier3A_75 = arith.constant 0 : index
    tpu.barrier barrier_id(%barrier3A_75)
    %mul3A_76 = arith.constant 640 : i32
    %mul3A_77 = arith.muli %arg1, %mul3A_76 : i32
    %mul3A_78 = arith.constant 640 : i32
    %mul3A_79 = arith.muli %arg1, %mul3A_78 : i32
    "tpu.region"() ({
      %run_scoped3A = tpu.sem_alloc : memref<!tpu.dma_semaphore, #tpu.memory_space<semaphore_mem>>
      %dma_start3A_80 = arith.constant 0 : i32
      %dma_start3A_81 = tpu.memref_slice %arg6[%arg0, %mul3A_79, %dma_start3A_80] : memref<2x10240x128xf32, #tpu.memory_space<hbm>> -> memref<1x640x128xf32, #tpu.memory_space<hbm>>
      %dma_start3A_82 = tpu.memref_squeeze %dma_start3A_81 : memref<1x640x128xf32, #tpu.memory_space<hbm>> -> memref<640x128xf32, #tpu.memory_space<hbm>>
      %dma_start3A_83 = arith.constant 0 : i32
      %dma_start3A_84 = tpu.memref_slice %arg10[%mul3A_77, %dma_start3A_83] : memref<10240x128xf32, #tpu.memory_space<vmem_shared>> -> memref<640x128xf32, #tpu.memory_space<vmem_shared>>
      tpu.enqueue_dma source(%dma_start3A_84 : memref<640x128xf32, #tpu.memory_space<vmem_shared>>) target(%dma_start3A_82 : memref<640x128xf32, #tpu.memory_space<hbm>>) target_semaphore(%run_scoped3A : memref<!tpu.dma_semaphore, #tpu.memory_space<semaphore_mem>>)
      %dma_wait3A_85 = arith.constant 0 : i32
      %dma_wait3A_86 = tpu.memref_slice %arg6[%arg0, %mul3A_79, %dma_wait3A_85] : memref<2x10240x128xf32, #tpu.memory_space<hbm>> -> memref<1x640x128xf32, #tpu.memory_space<hbm>>
      %dma_wait3A_87 = tpu.memref_squeeze %dma_wait3A_86 : memref<1x640x128xf32, #tpu.memory_space<hbm>> -> memref<640x128xf32, #tpu.memory_space<hbm>>
      %dma_wait3A_88 = arith.constant 0 : i32
      %dma_wait3A_89 = tpu.memref_slice %arg10[%mul3A_77, %dma_wait3A_88] : memref<10240x128xf32, #tpu.memory_space<vmem_shared>> -> memref<640x128xf32, #tpu.memory_space<vmem_shared>>
      tpu.wait_dma2 semaphore(%run_scoped3A : memref<!tpu.dma_semaphore, #tpu.memory_space<semaphore_mem>>) src(%dma_wait3A_89 : memref<640x128xf32, #tpu.memory_space<vmem_shared>>) dst(%dma_wait3A_87 : memref<640x128xf32, #tpu.memory_space<hbm>>)
      tpu.yield
    }) : () -> ()
    return
  }
}

#map = affine_map<(d0, d1) -> (0, 0)>
#map1 = affine_map<(d0, d1) -> (0, 0, 0)>
module attributes {stable_mosaic.version = 14 : i64} {
  func.func @_sc_agg(%arg0: i32, %arg1: i32, %arg2: memref<20000x128xf32, #tpu.memory_space<hbm>>, %arg3: memref<2x1280x128xi32, #tpu.memory_space<hbm>>, %arg4: memref<1280x128xi32, #tpu.memory_space<hbm>>, %arg5: memref<640x128xf32, #tpu.memory_space<hbm>>, %arg6: memref<2x10240x128xf32, #tpu.memory_space<hbm>>, %arg7: memref<40x128xi32, #tpu.memory_space<vmem>>, %arg8: memref<40x128xi32, #tpu.memory_space<vmem>>, %arg9: memref<2x128x128xf32, #tpu.memory_space<vmem>>, %arg10: memref<10240x128xf32, #tpu.memory_space<vmem_shared>>, %arg11: memref<2x!tpu.dma_semaphore, #tpu.memory_space<semaphore_mem>>, %arg12: memref<2x!tpu.dma_semaphore, #tpu.memory_space<semaphore_mem>>) attributes {dimension_semantics = [#tpu.dimension_semantics<core_parallel>, #tpu.dimension_semantics<subcore_parallel>], iteration_bounds = array<i64: 2, 16>, scalar_prefetch = 0 : i64, scratch_operands = 6 : i64, tpu.core_type = #tpu.core_type<sc_vector_subcore>, window_params = [{transform_indices = #map}, {transform_indices = #map1}, {transform_indices = #map}, {transform_indices = #map}, {transform_indices = #map1}]} {
    %mul3A = arith.constant 640 : i32
    %mul3A_0 = arith.muli %arg1, %mul3A : i32
    "tpu.region"() ({
      %run_scoped3A = tpu.sem_alloc : memref<!tpu.dma_semaphore, #tpu.memory_space<semaphore_mem>>
      %dma_start3A_80 = arith.constant 0 : i32
      %dma_start3A_81 = tpu.memref_slice %arg10[%mul3A_0, %dma_start3A_80] : memref<10240x128xf32, #tpu.memory_space<vmem_shared>> -> memref<640x128xf32, #tpu.memory_space<vmem_shared>>
      tpu.enqueue_dma source(%arg5 : memref<640x128xf32, #tpu.memory_space<hbm>>) target(%dma_start3A_81 : memref<640x128xf32, #tpu.memory_space<vmem_shared>>) target_semaphore(%run_scoped3A : memref<!tpu.dma_semaphore, #tpu.memory_space<semaphore_mem>>)
      %dma_wait3A_82 = arith.constant 0 : i32
      %dma_wait3A_83 = tpu.memref_slice %arg10[%mul3A_0, %dma_wait3A_82] : memref<10240x128xf32, #tpu.memory_space<vmem_shared>> -> memref<640x128xf32, #tpu.memory_space<vmem_shared>>
      tpu.wait_dma2 semaphore(%run_scoped3A : memref<!tpu.dma_semaphore, #tpu.memory_space<semaphore_mem>>) src(%arg5 : memref<640x128xf32, #tpu.memory_space<hbm>>) dst(%dma_wait3A_83 : memref<640x128xf32, #tpu.memory_space<vmem_shared>>)
      tpu.yield
    }) : () -> ()
    %barrier3A = arith.constant 0 : index
    tpu.barrier barrier_id(%barrier3A)
    %mul3A_1 = arith.constant 80 : i32
    %mul3A_2 = arith.muli %arg1, %mul3A_1 : i32
    %add3A = arith.constant 0 : i32
    %add3A_3 = arith.addi %mul3A_2, %add3A : i32
    "tpu.region"() ({
      %run_scoped3A = tpu.sem_alloc : memref<!tpu.dma_semaphore, #tpu.memory_space<semaphore_mem>>
      %dma_start3A_80 = arith.constant 0 : i32
      %dma_start3A_81 = tpu.memref_slice %arg3[%arg0, %add3A_3, %dma_start3A_80] : memref<2x1280x128xi32, #tpu.memory_space<hbm>> -> memref<1x40x128xi32, #tpu.memory_space<hbm>>
      %dma_start3A_82 = tpu.memref_squeeze %dma_start3A_81 : memref<1x40x128xi32, #tpu.memory_space<hbm>> -> memref<40x128xi32, #tpu.memory_space<hbm>>
      %dma_start3A_83 = arith.constant 0 : i32
      %dma_start3A_84 = tpu.memref_slice %arg3[%arg0, %add3A_3, %dma_start3A_83] : memref<2x1280x128xi32, #tpu.memory_space<hbm>> -> memref<1x40x128xi32, #tpu.memory_space<hbm>>
      %dma_start3A_85 = tpu.memref_squeeze %dma_start3A_84 : memref<1x40x128xi32, #tpu.memory_space<hbm>> -> memref<40x128xi32, #tpu.memory_space<hbm>>
      tpu.enqueue_dma source(%dma_start3A_85 : memref<40x128xi32, #tpu.memory_space<hbm>>) target(%arg7 : memref<40x128xi32, #tpu.memory_space<vmem>>) target_semaphore(%run_scoped3A : memref<!tpu.dma_semaphore, #tpu.memory_space<semaphore_mem>>)
      %dma_wait3A_86 = arith.constant 0 : i32
      %dma_wait3A_87 = tpu.memref_slice %arg3[%arg0, %add3A_3, %dma_wait3A_86] : memref<2x1280x128xi32, #tpu.memory_space<hbm>> -> memref<1x40x128xi32, #tpu.memory_space<hbm>>
      %dma_wait3A_88 = tpu.memref_squeeze %dma_wait3A_87 : memref<1x40x128xi32, #tpu.memory_space<hbm>> -> memref<40x128xi32, #tpu.memory_space<hbm>>
      %dma_wait3A_89 = arith.constant 0 : i32
      %dma_wait3A_90 = tpu.memref_slice %arg3[%arg0, %add3A_3, %dma_wait3A_89] : memref<2x1280x128xi32, #tpu.memory_space<hbm>> -> memref<1x40x128xi32, #tpu.memory_space<hbm>>
      %dma_wait3A_91 = tpu.memref_squeeze %dma_wait3A_90 : memref<1x40x128xi32, #tpu.memory_space<hbm>> -> memref<40x128xi32, #tpu.memory_space<hbm>>
      tpu.wait_dma2 semaphore(%run_scoped3A : memref<!tpu.dma_semaphore, #tpu.memory_space<semaphore_mem>>) src(%dma_wait3A_91 : memref<40x128xi32, #tpu.memory_space<hbm>>) dst(%arg7 : memref<40x128xi32, #tpu.memory_space<vmem>>)
      tpu.yield
    }) : () -> ()
    "tpu.region"() ({
      %run_scoped3A = tpu.sem_alloc : memref<!tpu.dma_semaphore, #tpu.memory_space<semaphore_mem>>
      %dma_start3A_80 = arith.constant 0 : i32
      %dma_start3A_81 = tpu.memref_slice %arg4[%add3A_3, %dma_start3A_80] : memref<1280x128xi32, #tpu.memory_space<hbm>> -> memref<40x128xi32, #tpu.memory_space<hbm>>
      %dma_start3A_82 = arith.constant 0 : i32
      %dma_start3A_83 = tpu.memref_slice %arg4[%add3A_3, %dma_start3A_82] : memref<1280x128xi32, #tpu.memory_space<hbm>> -> memref<40x128xi32, #tpu.memory_space<hbm>>
      tpu.enqueue_dma source(%dma_start3A_83 : memref<40x128xi32, #tpu.memory_space<hbm>>) target(%arg8 : memref<40x128xi32, #tpu.memory_space<vmem>>) target_semaphore(%run_scoped3A : memref<!tpu.dma_semaphore, #tpu.memory_space<semaphore_mem>>)
      %dma_wait3A_84 = arith.constant 0 : i32
      %dma_wait3A_85 = tpu.memref_slice %arg4[%add3A_3, %dma_wait3A_84] : memref<1280x128xi32, #tpu.memory_space<hbm>> -> memref<40x128xi32, #tpu.memory_space<hbm>>
      %dma_wait3A_86 = arith.constant 0 : i32
      %dma_wait3A_87 = tpu.memref_slice %arg4[%add3A_3, %dma_wait3A_86] : memref<1280x128xi32, #tpu.memory_space<hbm>> -> memref<40x128xi32, #tpu.memory_space<hbm>>
      tpu.wait_dma2 semaphore(%run_scoped3A : memref<!tpu.dma_semaphore, #tpu.memory_space<semaphore_mem>>) src(%dma_wait3A_87 : memref<40x128xi32, #tpu.memory_space<hbm>>) dst(%arg8 : memref<40x128xi32, #tpu.memory_space<vmem>>)
      tpu.yield
    }) : () -> ()
    %dma_start3A = arith.constant 0 : i32
    %dma_start3A_4 = arith.constant 0 : i32
    %dma_start3A_5 = arith.constant 0 : i32
    %dma_start3A_6 = arith.constant 0 : i32
    %dma_start3A_7 = arith.constant 0 : i32
    %dma_start3A_8 = tpu.memref_slice %arg9[%dma_start3A_4, %dma_start3A_6, %dma_start3A_7] : memref<2x128x128xf32, #tpu.memory_space<vmem>> -> memref<1x128x128xf32, #tpu.memory_space<vmem>>
    %dma_start3A_9 = tpu.memref_squeeze %dma_start3A_8 : memref<1x128x128xf32, #tpu.memory_space<vmem>> -> memref<128x128xf32, #tpu.memory_space<vmem>>
    %dma_start3A_10 = arith.constant 0 : i32
    %dma_start3A_11 = tpu.memref_slice %arg7[%dma_start3A, %dma_start3A_10] : memref<40x128xi32, #tpu.memory_space<vmem>> -> memref<1x128xi32, #tpu.memory_space<vmem>>
    %dma_start3A_12 = tpu.memref_squeeze %dma_start3A_11 : memref<1x128xi32, #tpu.memory_space<vmem>> -> memref<128xi32, #tpu.memory_space<vmem>>
    %dma_start3A_13 = arith.constant 0 : i32
    %dma_start3A_14 = arith.constant 0 : i32
    %dma_start3A_15 = tpu.memref_slice %arg2[%dma_start3A_13, %dma_start3A_14] : memref<20000x128xf32, #tpu.memory_space<hbm>> -> memref<20000x128xf32, #tpu.memory_space<hbm>>
    %dma_start3A_16 = tpu.memref_slice %arg11[%dma_start3A_5] : memref<2x!tpu.dma_semaphore, #tpu.memory_space<semaphore_mem>> -> memref<1x!tpu.dma_semaphore, #tpu.memory_space<semaphore_mem>>
    %dma_start3A_17 = tpu.memref_squeeze %dma_start3A_16 : memref<1x!tpu.dma_semaphore, #tpu.memory_space<semaphore_mem>> -> memref<!tpu.dma_semaphore, #tpu.memory_space<semaphore_mem>>
    tpu.enqueue_indirect_dma source(%dma_start3A_15 : memref<20000x128xf32, #tpu.memory_space<hbm>>) target(%dma_start3A_9 : memref<128x128xf32, #tpu.memory_space<vmem>>) offsets(%dma_start3A_12 : memref<128xi32, #tpu.memory_space<vmem>>) semaphore(%dma_start3A_17 : memref<!tpu.dma_semaphore, #tpu.memory_space<semaphore_mem>>)
    %scan3A = arith.constant 0 : i32
    %scan3A_18 = arith.constant 20 : i32
    %scan3A_19 = arith.addi %scan3A, %scan3A_18 : i32
    %scan3A_20 = arith.constant 1 : i32
    scf.for %scan3A_80 = %scan3A to %scan3A_19 step %scan3A_20  : i32 {
      %mul3A_81 = arith.constant 2 : i32
      %mul3A_82 = arith.muli %scan3A_80, %mul3A_81 : i32
      %add3A_83 = arith.constant 0 : i32
      %add3A_84 = arith.addi %add3A_83, %mul3A_82 : i32
      %add3A_85 = arith.constant 0 : i32
      %add3A_86 = arith.addi %add3A_84, %add3A_85 : i32
      %ge3A = arith.constant 1 : i32
      %ge3A_87 = arith.cmpi sge, %add3A_86, %ge3A : i32
      %convert_element_type3A = arith.extui %ge3A_87 : i1 to i32
      %cond3A = arith.constant 0 : i32
      %cond3A_88 = arith.cmpi ne, %convert_element_type3A, %cond3A : i32
      scf.if %cond3A_88 {
        %sub3A = arith.constant 1 : i32
        %sub3A_165 = arith.subi %add3A_86, %sub3A : i32
        %dma_wait3A_166 = arith.constant 1 : i32
        %dma_wait3A_167 = arith.constant 1 : i32
        %dma_wait3A_168 = arith.constant 0 : i32
        %dma_wait3A_169 = arith.constant 0 : i32
        %dma_wait3A_170 = tpu.memref_slice %arg9[%dma_wait3A_166, %dma_wait3A_168, %dma_wait3A_169] : memref<2x128x128xf32, #tpu.memory_space<vmem>> -> memref<1x128x128xf32, #tpu.memory_space<vmem>>
        %dma_wait3A_171 = tpu.memref_squeeze %dma_wait3A_170 : memref<1x128x128xf32, #tpu.memory_space<vmem>> -> memref<128x128xf32, #tpu.memory_space<vmem>>
        %dma_wait3A_172 = arith.constant 0 : i32
        %dma_wait3A_173 = tpu.memref_slice %arg8[%sub3A_165, %dma_wait3A_172] : memref<40x128xi32, #tpu.memory_space<vmem>> -> memref<1x128xi32, #tpu.memory_space<vmem>>
        %dma_wait3A_174 = tpu.memref_squeeze %dma_wait3A_173 : memref<1x128xi32, #tpu.memory_space<vmem>> -> memref<128xi32, #tpu.memory_space<vmem>>
        %dma_wait3A_175 = arith.constant 0 : i32
        %dma_wait3A_176 = arith.constant 0 : i32
        %dma_wait3A_177 = tpu.memref_slice %arg10[%dma_wait3A_175, %dma_wait3A_176] : memref<10240x128xf32, #tpu.memory_space<vmem_shared>> -> memref<10240x128xf32, #tpu.memory_space<vmem_shared>>
        %dma_wait3A_178 = tpu.memref_slice %arg12[%dma_wait3A_167] : memref<2x!tpu.dma_semaphore, #tpu.memory_space<semaphore_mem>> -> memref<1x!tpu.dma_semaphore, #tpu.memory_space<semaphore_mem>>
        %dma_wait3A_179 = tpu.memref_squeeze %dma_wait3A_178 : memref<1x!tpu.dma_semaphore, #tpu.memory_space<semaphore_mem>> -> memref<!tpu.dma_semaphore, #tpu.memory_space<semaphore_mem>>
        tpu.wait_indirect_dma semaphore(%dma_wait3A_179 : memref<!tpu.dma_semaphore, #tpu.memory_space<semaphore_mem>>) src(%dma_wait3A_171 : memref<128x128xf32, #tpu.memory_space<vmem>>) dst(%dma_wait3A_177 : memref<10240x128xf32, #tpu.memory_space<vmem_shared>>)
      } else {
      }
      %add3A_89 = arith.constant 1 : i32
      %add3A_90 = arith.addi %add3A_86, %add3A_89 : i32
      %lt3A = arith.constant 40 : i32
      %lt3A_91 = arith.cmpi slt, %add3A_90, %lt3A : i32
      %convert_element_type3A_92 = arith.extui %lt3A_91 : i1 to i32
      %cond3A_93 = arith.constant 0 : i32
      %cond3A_94 = arith.cmpi ne, %convert_element_type3A_92, %cond3A_93 : i32
      scf.if %cond3A_94 {
        %add3A_165 = arith.constant 1 : i32
        %add3A_166 = arith.addi %add3A_86, %add3A_165 : i32
        %dma_start3A_167 = arith.constant 1 : i32
        %dma_start3A_168 = arith.constant 1 : i32
        %dma_start3A_169 = arith.constant 0 : i32
        %dma_start3A_170 = arith.constant 0 : i32
        %dma_start3A_171 = tpu.memref_slice %arg9[%dma_start3A_167, %dma_start3A_169, %dma_start3A_170] : memref<2x128x128xf32, #tpu.memory_space<vmem>> -> memref<1x128x128xf32, #tpu.memory_space<vmem>>
        %dma_start3A_172 = tpu.memref_squeeze %dma_start3A_171 : memref<1x128x128xf32, #tpu.memory_space<vmem>> -> memref<128x128xf32, #tpu.memory_space<vmem>>
        %dma_start3A_173 = arith.constant 0 : i32
        %dma_start3A_174 = tpu.memref_slice %arg7[%add3A_166, %dma_start3A_173] : memref<40x128xi32, #tpu.memory_space<vmem>> -> memref<1x128xi32, #tpu.memory_space<vmem>>
        %dma_start3A_175 = tpu.memref_squeeze %dma_start3A_174 : memref<1x128xi32, #tpu.memory_space<vmem>> -> memref<128xi32, #tpu.memory_space<vmem>>
        %dma_start3A_176 = arith.constant 0 : i32
        %dma_start3A_177 = arith.constant 0 : i32
        %dma_start3A_178 = tpu.memref_slice %arg2[%dma_start3A_176, %dma_start3A_177] : memref<20000x128xf32, #tpu.memory_space<hbm>> -> memref<20000x128xf32, #tpu.memory_space<hbm>>
        %dma_start3A_179 = tpu.memref_slice %arg11[%dma_start3A_168] : memref<2x!tpu.dma_semaphore, #tpu.memory_space<semaphore_mem>> -> memref<1x!tpu.dma_semaphore, #tpu.memory_space<semaphore_mem>>
        %dma_start3A_180 = tpu.memref_squeeze %dma_start3A_179 : memref<1x!tpu.dma_semaphore, #tpu.memory_space<semaphore_mem>> -> memref<!tpu.dma_semaphore, #tpu.memory_space<semaphore_mem>>
        tpu.enqueue_indirect_dma source(%dma_start3A_178 : memref<20000x128xf32, #tpu.memory_space<hbm>>) target(%dma_start3A_172 : memref<128x128xf32, #tpu.memory_space<vmem>>) offsets(%dma_start3A_175 : memref<128xi32, #tpu.memory_space<vmem>>) semaphore(%dma_start3A_180 : memref<!tpu.dma_semaphore, #tpu.memory_space<semaphore_mem>>)
      } else {
      }
      %dma_wait3A_95 = arith.constant 0 : i32
      %dma_wait3A_96 = arith.constant 0 : i32
      %dma_wait3A_97 = arith.constant 0 : i32
      %dma_wait3A_98 = arith.constant 0 : i32
      %dma_wait3A_99 = tpu.memref_slice %arg9[%dma_wait3A_95, %dma_wait3A_97, %dma_wait3A_98] : memref<2x128x128xf32, #tpu.memory_space<vmem>> -> memref<1x128x128xf32, #tpu.memory_space<vmem>>
      %dma_wait3A_100 = tpu.memref_squeeze %dma_wait3A_99 : memref<1x128x128xf32, #tpu.memory_space<vmem>> -> memref<128x128xf32, #tpu.memory_space<vmem>>
      %dma_wait3A_101 = arith.constant 0 : i32
      %dma_wait3A_102 = tpu.memref_slice %arg7[%add3A_86, %dma_wait3A_101] : memref<40x128xi32, #tpu.memory_space<vmem>> -> memref<1x128xi32, #tpu.memory_space<vmem>>
      %dma_wait3A_103 = tpu.memref_squeeze %dma_wait3A_102 : memref<1x128xi32, #tpu.memory_space<vmem>> -> memref<128xi32, #tpu.memory_space<vmem>>
      %dma_wait3A_104 = arith.constant 0 : i32
      %dma_wait3A_105 = arith.constant 0 : i32
      %dma_wait3A_106 = tpu.memref_slice %arg2[%dma_wait3A_104, %dma_wait3A_105] : memref<20000x128xf32, #tpu.memory_space<hbm>> -> memref<20000x128xf32, #tpu.memory_space<hbm>>
      %dma_wait3A_107 = tpu.memref_slice %arg11[%dma_wait3A_96] : memref<2x!tpu.dma_semaphore, #tpu.memory_space<semaphore_mem>> -> memref<1x!tpu.dma_semaphore, #tpu.memory_space<semaphore_mem>>
      %dma_wait3A_108 = tpu.memref_squeeze %dma_wait3A_107 : memref<1x!tpu.dma_semaphore, #tpu.memory_space<semaphore_mem>> -> memref<!tpu.dma_semaphore, #tpu.memory_space<semaphore_mem>>
      tpu.wait_indirect_dma semaphore(%dma_wait3A_108 : memref<!tpu.dma_semaphore, #tpu.memory_space<semaphore_mem>>) src(%dma_wait3A_106 : memref<20000x128xf32, #tpu.memory_space<hbm>>) dst(%dma_wait3A_100 : memref<128x128xf32, #tpu.memory_space<vmem>>)
      %dma_start3A_109 = arith.constant 0 : i32
      %dma_start3A_110 = arith.constant 0 : i32
      %dma_start3A_111 = arith.constant 0 : i32
      %dma_start3A_112 = arith.constant 0 : i32
      %dma_start3A_113 = tpu.memref_slice %arg9[%dma_start3A_109, %dma_start3A_111, %dma_start3A_112] : memref<2x128x128xf32, #tpu.memory_space<vmem>> -> memref<1x128x128xf32, #tpu.memory_space<vmem>>
      %dma_start3A_114 = tpu.memref_squeeze %dma_start3A_113 : memref<1x128x128xf32, #tpu.memory_space<vmem>> -> memref<128x128xf32, #tpu.memory_space<vmem>>
      %dma_start3A_115 = arith.constant 0 : i32
      %dma_start3A_116 = tpu.memref_slice %arg8[%add3A_86, %dma_start3A_115] : memref<40x128xi32, #tpu.memory_space<vmem>> -> memref<1x128xi32, #tpu.memory_space<vmem>>
      %dma_start3A_117 = tpu.memref_squeeze %dma_start3A_116 : memref<1x128xi32, #tpu.memory_space<vmem>> -> memref<128xi32, #tpu.memory_space<vmem>>
      %dma_start3A_118 = arith.constant 0 : i32
      %dma_start3A_119 = arith.constant 0 : i32
      %dma_start3A_120 = tpu.memref_slice %arg10[%dma_start3A_118, %dma_start3A_119] : memref<10240x128xf32, #tpu.memory_space<vmem_shared>> -> memref<10240x128xf32, #tpu.memory_space<vmem_shared>>
      %dma_start3A_121 = tpu.memref_slice %arg12[%dma_start3A_110] : memref<2x!tpu.dma_semaphore, #tpu.memory_space<semaphore_mem>> -> memref<1x!tpu.dma_semaphore, #tpu.memory_space<semaphore_mem>>
      %dma_start3A_122 = tpu.memref_squeeze %dma_start3A_121 : memref<1x!tpu.dma_semaphore, #tpu.memory_space<semaphore_mem>> -> memref<!tpu.dma_semaphore, #tpu.memory_space<semaphore_mem>>
      tpu.enqueue_indirect_dma source(%dma_start3A_114 : memref<128x128xf32, #tpu.memory_space<vmem>>) target(%dma_start3A_120 : memref<10240x128xf32, #tpu.memory_space<vmem_shared>>) offsets(%dma_start3A_117 : memref<128xi32, #tpu.memory_space<vmem>>) semaphore(%dma_start3A_122 : memref<!tpu.dma_semaphore, #tpu.memory_space<semaphore_mem>>) {add = true}
      %add3A_123 = arith.constant 1 : i32
      %add3A_124 = arith.addi %add3A_84, %add3A_123 : i32
      %ge3A_125 = arith.constant 1 : i32
      %ge3A_126 = arith.cmpi sge, %add3A_124, %ge3A_125 : i32
      %convert_element_type3A_127 = arith.extui %ge3A_126 : i1 to i32
      %cond3A_128 = arith.constant 0 : i32
      %cond3A_129 = arith.cmpi ne, %convert_element_type3A_127, %cond3A_128 : i32
      scf.if %cond3A_129 {
        %sub3A = arith.constant 1 : i32
        %sub3A_165 = arith.subi %add3A_124, %sub3A : i32
        %dma_wait3A_166 = arith.constant 0 : i32
        %dma_wait3A_167 = arith.constant 0 : i32
        %dma_wait3A_168 = arith.constant 0 : i32
        %dma_wait3A_169 = arith.constant 0 : i32
        %dma_wait3A_170 = tpu.memref_slice %arg9[%dma_wait3A_166, %dma_wait3A_168, %dma_wait3A_169] : memref<2x128x128xf32, #tpu.memory_space<vmem>> -> memref<1x128x128xf32, #tpu.memory_space<vmem>>
        %dma_wait3A_171 = tpu.memref_squeeze %dma_wait3A_170 : memref<1x128x128xf32, #tpu.memory_space<vmem>> -> memref<128x128xf32, #tpu.memory_space<vmem>>
        %dma_wait3A_172 = arith.constant 0 : i32
        %dma_wait3A_173 = tpu.memref_slice %arg8[%sub3A_165, %dma_wait3A_172] : memref<40x128xi32, #tpu.memory_space<vmem>> -> memref<1x128xi32, #tpu.memory_space<vmem>>
        %dma_wait3A_174 = tpu.memref_squeeze %dma_wait3A_173 : memref<1x128xi32, #tpu.memory_space<vmem>> -> memref<128xi32, #tpu.memory_space<vmem>>
        %dma_wait3A_175 = arith.constant 0 : i32
        %dma_wait3A_176 = arith.constant 0 : i32
        %dma_wait3A_177 = tpu.memref_slice %arg10[%dma_wait3A_175, %dma_wait3A_176] : memref<10240x128xf32, #tpu.memory_space<vmem_shared>> -> memref<10240x128xf32, #tpu.memory_space<vmem_shared>>
        %dma_wait3A_178 = tpu.memref_slice %arg12[%dma_wait3A_167] : memref<2x!tpu.dma_semaphore, #tpu.memory_space<semaphore_mem>> -> memref<1x!tpu.dma_semaphore, #tpu.memory_space<semaphore_mem>>
        %dma_wait3A_179 = tpu.memref_squeeze %dma_wait3A_178 : memref<1x!tpu.dma_semaphore, #tpu.memory_space<semaphore_mem>> -> memref<!tpu.dma_semaphore, #tpu.memory_space<semaphore_mem>>
        tpu.wait_indirect_dma semaphore(%dma_wait3A_179 : memref<!tpu.dma_semaphore, #tpu.memory_space<semaphore_mem>>) src(%dma_wait3A_171 : memref<128x128xf32, #tpu.memory_space<vmem>>) dst(%dma_wait3A_177 : memref<10240x128xf32, #tpu.memory_space<vmem_shared>>)
      } else {
      }
      %add3A_130 = arith.constant 1 : i32
      %add3A_131 = arith.addi %add3A_124, %add3A_130 : i32
      %lt3A_132 = arith.constant 40 : i32
      %lt3A_133 = arith.cmpi slt, %add3A_131, %lt3A_132 : i32
      %convert_element_type3A_134 = arith.extui %lt3A_133 : i1 to i32
      %cond3A_135 = arith.constant 0 : i32
      %cond3A_136 = arith.cmpi ne, %convert_element_type3A_134, %cond3A_135 : i32
      scf.if %cond3A_136 {
        %add3A_165 = arith.constant 1 : i32
        %add3A_166 = arith.addi %add3A_124, %add3A_165 : i32
        %dma_start3A_167 = arith.constant 0 : i32
        %dma_start3A_168 = arith.constant 0 : i32
        %dma_start3A_169 = arith.constant 0 : i32
        %dma_start3A_170 = arith.constant 0 : i32
        %dma_start3A_171 = tpu.memref_slice %arg9[%dma_start3A_167, %dma_start3A_169, %dma_start3A_170] : memref<2x128x128xf32, #tpu.memory_space<vmem>> -> memref<1x128x128xf32, #tpu.memory_space<vmem>>
        %dma_start3A_172 = tpu.memref_squeeze %dma_start3A_171 : memref<1x128x128xf32, #tpu.memory_space<vmem>> -> memref<128x128xf32, #tpu.memory_space<vmem>>
        %dma_start3A_173 = arith.constant 0 : i32
        %dma_start3A_174 = tpu.memref_slice %arg7[%add3A_166, %dma_start3A_173] : memref<40x128xi32, #tpu.memory_space<vmem>> -> memref<1x128xi32, #tpu.memory_space<vmem>>
        %dma_start3A_175 = tpu.memref_squeeze %dma_start3A_174 : memref<1x128xi32, #tpu.memory_space<vmem>> -> memref<128xi32, #tpu.memory_space<vmem>>
        %dma_start3A_176 = arith.constant 0 : i32
        %dma_start3A_177 = arith.constant 0 : i32
        %dma_start3A_178 = tpu.memref_slice %arg2[%dma_start3A_176, %dma_start3A_177] : memref<20000x128xf32, #tpu.memory_space<hbm>> -> memref<20000x128xf32, #tpu.memory_space<hbm>>
        %dma_start3A_179 = tpu.memref_slice %arg11[%dma_start3A_168] : memref<2x!tpu.dma_semaphore, #tpu.memory_space<semaphore_mem>> -> memref<1x!tpu.dma_semaphore, #tpu.memory_space<semaphore_mem>>
        %dma_start3A_180 = tpu.memref_squeeze %dma_start3A_179 : memref<1x!tpu.dma_semaphore, #tpu.memory_space<semaphore_mem>> -> memref<!tpu.dma_semaphore, #tpu.memory_space<semaphore_mem>>
        tpu.enqueue_indirect_dma source(%dma_start3A_178 : memref<20000x128xf32, #tpu.memory_space<hbm>>) target(%dma_start3A_172 : memref<128x128xf32, #tpu.memory_space<vmem>>) offsets(%dma_start3A_175 : memref<128xi32, #tpu.memory_space<vmem>>) semaphore(%dma_start3A_180 : memref<!tpu.dma_semaphore, #tpu.memory_space<semaphore_mem>>)
      } else {
      }
      %dma_wait3A_137 = arith.constant 1 : i32
      %dma_wait3A_138 = arith.constant 1 : i32
      %dma_wait3A_139 = arith.constant 0 : i32
      %dma_wait3A_140 = arith.constant 0 : i32
      %dma_wait3A_141 = tpu.memref_slice %arg9[%dma_wait3A_137, %dma_wait3A_139, %dma_wait3A_140] : memref<2x128x128xf32, #tpu.memory_space<vmem>> -> memref<1x128x128xf32, #tpu.memory_space<vmem>>
      %dma_wait3A_142 = tpu.memref_squeeze %dma_wait3A_141 : memref<1x128x128xf32, #tpu.memory_space<vmem>> -> memref<128x128xf32, #tpu.memory_space<vmem>>
      %dma_wait3A_143 = arith.constant 0 : i32
      %dma_wait3A_144 = tpu.memref_slice %arg7[%add3A_124, %dma_wait3A_143] : memref<40x128xi32, #tpu.memory_space<vmem>> -> memref<1x128xi32, #tpu.memory_space<vmem>>
      %dma_wait3A_145 = tpu.memref_squeeze %dma_wait3A_144 : memref<1x128xi32, #tpu.memory_space<vmem>> -> memref<128xi32, #tpu.memory_space<vmem>>
      %dma_wait3A_146 = arith.constant 0 : i32
      %dma_wait3A_147 = arith.constant 0 : i32
      %dma_wait3A_148 = tpu.memref_slice %arg2[%dma_wait3A_146, %dma_wait3A_147] : memref<20000x128xf32, #tpu.memory_space<hbm>> -> memref<20000x128xf32, #tpu.memory_space<hbm>>
      %dma_wait3A_149 = tpu.memref_slice %arg11[%dma_wait3A_138] : memref<2x!tpu.dma_semaphore, #tpu.memory_space<semaphore_mem>> -> memref<1x!tpu.dma_semaphore, #tpu.memory_space<semaphore_mem>>
      %dma_wait3A_150 = tpu.memref_squeeze %dma_wait3A_149 : memref<1x!tpu.dma_semaphore, #tpu.memory_space<semaphore_mem>> -> memref<!tpu.dma_semaphore, #tpu.memory_space<semaphore_mem>>
      tpu.wait_indirect_dma semaphore(%dma_wait3A_150 : memref<!tpu.dma_semaphore, #tpu.memory_space<semaphore_mem>>) src(%dma_wait3A_148 : memref<20000x128xf32, #tpu.memory_space<hbm>>) dst(%dma_wait3A_142 : memref<128x128xf32, #tpu.memory_space<vmem>>)
      %dma_start3A_151 = arith.constant 1 : i32
      %dma_start3A_152 = arith.constant 1 : i32
      %dma_start3A_153 = arith.constant 0 : i32
      %dma_start3A_154 = arith.constant 0 : i32
      %dma_start3A_155 = tpu.memref_slice %arg9[%dma_start3A_151, %dma_start3A_153, %dma_start3A_154] : memref<2x128x128xf32, #tpu.memory_space<vmem>> -> memref<1x128x128xf32, #tpu.memory_space<vmem>>
      %dma_start3A_156 = tpu.memref_squeeze %dma_start3A_155 : memref<1x128x128xf32, #tpu.memory_space<vmem>> -> memref<128x128xf32, #tpu.memory_space<vmem>>
      %dma_start3A_157 = arith.constant 0 : i32
      %dma_start3A_158 = tpu.memref_slice %arg8[%add3A_124, %dma_start3A_157] : memref<40x128xi32, #tpu.memory_space<vmem>> -> memref<1x128xi32, #tpu.memory_space<vmem>>
      %dma_start3A_159 = tpu.memref_squeeze %dma_start3A_158 : memref<1x128xi32, #tpu.memory_space<vmem>> -> memref<128xi32, #tpu.memory_space<vmem>>
      %dma_start3A_160 = arith.constant 0 : i32
      %dma_start3A_161 = arith.constant 0 : i32
      %dma_start3A_162 = tpu.memref_slice %arg10[%dma_start3A_160, %dma_start3A_161] : memref<10240x128xf32, #tpu.memory_space<vmem_shared>> -> memref<10240x128xf32, #tpu.memory_space<vmem_shared>>
      %dma_start3A_163 = tpu.memref_slice %arg12[%dma_start3A_152] : memref<2x!tpu.dma_semaphore, #tpu.memory_space<semaphore_mem>> -> memref<1x!tpu.dma_semaphore, #tpu.memory_space<semaphore_mem>>
      %dma_start3A_164 = tpu.memref_squeeze %dma_start3A_163 : memref<1x!tpu.dma_semaphore, #tpu.memory_space<semaphore_mem>> -> memref<!tpu.dma_semaphore, #tpu.memory_space<semaphore_mem>>
      tpu.enqueue_indirect_dma source(%dma_start3A_156 : memref<128x128xf32, #tpu.memory_space<vmem>>) target(%dma_start3A_162 : memref<10240x128xf32, #tpu.memory_space<vmem_shared>>) offsets(%dma_start3A_159 : memref<128xi32, #tpu.memory_space<vmem>>) semaphore(%dma_start3A_164 : memref<!tpu.dma_semaphore, #tpu.memory_space<semaphore_mem>>) {add = true}
    }
    %scan3A_21 = arith.constant 20 : i32
    %dma_wait3A = arith.constant 1 : i32
    %dma_wait3A_22 = arith.constant 39 : i32
    %dma_wait3A_23 = arith.constant 1 : i32
    %dma_wait3A_24 = arith.constant 0 : i32
    %dma_wait3A_25 = arith.constant 0 : i32
    %dma_wait3A_26 = tpu.memref_slice %arg9[%dma_wait3A, %dma_wait3A_24, %dma_wait3A_25] : memref<2x128x128xf32, #tpu.memory_space<vmem>> -> memref<1x128x128xf32, #tpu.memory_space<vmem>>
    %dma_wait3A_27 = tpu.memref_squeeze %dma_wait3A_26 : memref<1x128x128xf32, #tpu.memory_space<vmem>> -> memref<128x128xf32, #tpu.memory_space<vmem>>
    %dma_wait3A_28 = arith.constant 0 : i32
    %dma_wait3A_29 = tpu.memref_slice %arg8[%dma_wait3A_22, %dma_wait3A_28] : memref<40x128xi32, #tpu.memory_space<vmem>> -> memref<1x128xi32, #tpu.memory_space<vmem>>
    %dma_wait3A_30 = tpu.memref_squeeze %dma_wait3A_29 : memref<1x128xi32, #tpu.memory_space<vmem>> -> memref<128xi32, #tpu.memory_space<vmem>>
    %dma_wait3A_31 = arith.constant 0 : i32
    %dma_wait3A_32 = arith.constant 0 : i32
    %dma_wait3A_33 = tpu.memref_slice %arg10[%dma_wait3A_31, %dma_wait3A_32] : memref<10240x128xf32, #tpu.memory_space<vmem_shared>> -> memref<10240x128xf32, #tpu.memory_space<vmem_shared>>
    %dma_wait3A_34 = tpu.memref_slice %arg12[%dma_wait3A_23] : memref<2x!tpu.dma_semaphore, #tpu.memory_space<semaphore_mem>> -> memref<1x!tpu.dma_semaphore, #tpu.memory_space<semaphore_mem>>
    %dma_wait3A_35 = tpu.memref_squeeze %dma_wait3A_34 : memref<1x!tpu.dma_semaphore, #tpu.memory_space<semaphore_mem>> -> memref<!tpu.dma_semaphore, #tpu.memory_space<semaphore_mem>>
    tpu.wait_indirect_dma semaphore(%dma_wait3A_35 : memref<!tpu.dma_semaphore, #tpu.memory_space<semaphore_mem>>) src(%dma_wait3A_27 : memref<128x128xf32, #tpu.memory_space<vmem>>) dst(%dma_wait3A_33 : memref<10240x128xf32, #tpu.memory_space<vmem_shared>>)
    %mul3A_36 = arith.constant 80 : i32
    %mul3A_37 = arith.muli %arg1, %mul3A_36 : i32
    %add3A_38 = arith.constant 40 : i32
    %add3A_39 = arith.addi %mul3A_37, %add3A_38 : i32
    "tpu.region"() ({
      %run_scoped3A = tpu.sem_alloc : memref<!tpu.dma_semaphore, #tpu.memory_space<semaphore_mem>>
      %dma_start3A_80 = arith.constant 0 : i32
      %dma_start3A_81 = tpu.memref_slice %arg3[%arg0, %add3A_39, %dma_start3A_80] : memref<2x1280x128xi32, #tpu.memory_space<hbm>> -> memref<1x40x128xi32, #tpu.memory_space<hbm>>
      %dma_start3A_82 = tpu.memref_squeeze %dma_start3A_81 : memref<1x40x128xi32, #tpu.memory_space<hbm>> -> memref<40x128xi32, #tpu.memory_space<hbm>>
      %dma_start3A_83 = arith.constant 0 : i32
      %dma_start3A_84 = tpu.memref_slice %arg3[%arg0, %add3A_39, %dma_start3A_83] : memref<2x1280x128xi32, #tpu.memory_space<hbm>> -> memref<1x40x128xi32, #tpu.memory_space<hbm>>
      %dma_start3A_85 = tpu.memref_squeeze %dma_start3A_84 : memref<1x40x128xi32, #tpu.memory_space<hbm>> -> memref<40x128xi32, #tpu.memory_space<hbm>>
      tpu.enqueue_dma source(%dma_start3A_85 : memref<40x128xi32, #tpu.memory_space<hbm>>) target(%arg7 : memref<40x128xi32, #tpu.memory_space<vmem>>) target_semaphore(%run_scoped3A : memref<!tpu.dma_semaphore, #tpu.memory_space<semaphore_mem>>)
      %dma_wait3A_86 = arith.constant 0 : i32
      %dma_wait3A_87 = tpu.memref_slice %arg3[%arg0, %add3A_39, %dma_wait3A_86] : memref<2x1280x128xi32, #tpu.memory_space<hbm>> -> memref<1x40x128xi32, #tpu.memory_space<hbm>>
      %dma_wait3A_88 = tpu.memref_squeeze %dma_wait3A_87 : memref<1x40x128xi32, #tpu.memory_space<hbm>> -> memref<40x128xi32, #tpu.memory_space<hbm>>
      %dma_wait3A_89 = arith.constant 0 : i32
      %dma_wait3A_90 = tpu.memref_slice %arg3[%arg0, %add3A_39, %dma_wait3A_89] : memref<2x1280x128xi32, #tpu.memory_space<hbm>> -> memref<1x40x128xi32, #tpu.memory_space<hbm>>
      %dma_wait3A_91 = tpu.memref_squeeze %dma_wait3A_90 : memref<1x40x128xi32, #tpu.memory_space<hbm>> -> memref<40x128xi32, #tpu.memory_space<hbm>>
      tpu.wait_dma2 semaphore(%run_scoped3A : memref<!tpu.dma_semaphore, #tpu.memory_space<semaphore_mem>>) src(%dma_wait3A_91 : memref<40x128xi32, #tpu.memory_space<hbm>>) dst(%arg7 : memref<40x128xi32, #tpu.memory_space<vmem>>)
      tpu.yield
    }) : () -> ()
    "tpu.region"() ({
      %run_scoped3A = tpu.sem_alloc : memref<!tpu.dma_semaphore, #tpu.memory_space<semaphore_mem>>
      %dma_start3A_80 = arith.constant 0 : i32
      %dma_start3A_81 = tpu.memref_slice %arg4[%add3A_39, %dma_start3A_80] : memref<1280x128xi32, #tpu.memory_space<hbm>> -> memref<40x128xi32, #tpu.memory_space<hbm>>
      %dma_start3A_82 = arith.constant 0 : i32
      %dma_start3A_83 = tpu.memref_slice %arg4[%add3A_39, %dma_start3A_82] : memref<1280x128xi32, #tpu.memory_space<hbm>> -> memref<40x128xi32, #tpu.memory_space<hbm>>
      tpu.enqueue_dma source(%dma_start3A_83 : memref<40x128xi32, #tpu.memory_space<hbm>>) target(%arg8 : memref<40x128xi32, #tpu.memory_space<vmem>>) target_semaphore(%run_scoped3A : memref<!tpu.dma_semaphore, #tpu.memory_space<semaphore_mem>>)
      %dma_wait3A_84 = arith.constant 0 : i32
      %dma_wait3A_85 = tpu.memref_slice %arg4[%add3A_39, %dma_wait3A_84] : memref<1280x128xi32, #tpu.memory_space<hbm>> -> memref<40x128xi32, #tpu.memory_space<hbm>>
      %dma_wait3A_86 = arith.constant 0 : i32
      %dma_wait3A_87 = tpu.memref_slice %arg4[%add3A_39, %dma_wait3A_86] : memref<1280x128xi32, #tpu.memory_space<hbm>> -> memref<40x128xi32, #tpu.memory_space<hbm>>
      tpu.wait_dma2 semaphore(%run_scoped3A : memref<!tpu.dma_semaphore, #tpu.memory_space<semaphore_mem>>) src(%dma_wait3A_87 : memref<40x128xi32, #tpu.memory_space<hbm>>) dst(%arg8 : memref<40x128xi32, #tpu.memory_space<vmem>>)
      tpu.yield
    }) : () -> ()
    %dma_start3A_40 = arith.constant 0 : i32
    %dma_start3A_41 = arith.constant 0 : i32
    %dma_start3A_42 = arith.constant 0 : i32
    %dma_start3A_43 = arith.constant 0 : i32
    %dma_start3A_44 = arith.constant 0 : i32
    %dma_start3A_45 = tpu.memref_slice %arg9[%dma_start3A_41, %dma_start3A_43, %dma_start3A_44] : memref<2x128x128xf32, #tpu.memory_space<vmem>> -> memref<1x128x128xf32, #tpu.memory_space<vmem>>
    %dma_start3A_46 = tpu.memref_squeeze %dma_start3A_45 : memref<1x128x128xf32, #tpu.memory_space<vmem>> -> memref<128x128xf32, #tpu.memory_space<vmem>>
    %dma_start3A_47 = arith.constant 0 : i32
    %dma_start3A_48 = tpu.memref_slice %arg7[%dma_start3A_40, %dma_start3A_47] : memref<40x128xi32, #tpu.memory_space<vmem>> -> memref<1x128xi32, #tpu.memory_space<vmem>>
    %dma_start3A_49 = tpu.memref_squeeze %dma_start3A_48 : memref<1x128xi32, #tpu.memory_space<vmem>> -> memref<128xi32, #tpu.memory_space<vmem>>
    %dma_start3A_50 = arith.constant 0 : i32
    %dma_start3A_51 = arith.constant 0 : i32
    %dma_start3A_52 = tpu.memref_slice %arg2[%dma_start3A_50, %dma_start3A_51] : memref<20000x128xf32, #tpu.memory_space<hbm>> -> memref<20000x128xf32, #tpu.memory_space<hbm>>
    %dma_start3A_53 = tpu.memref_slice %arg11[%dma_start3A_42] : memref<2x!tpu.dma_semaphore, #tpu.memory_space<semaphore_mem>> -> memref<1x!tpu.dma_semaphore, #tpu.memory_space<semaphore_mem>>
    %dma_start3A_54 = tpu.memref_squeeze %dma_start3A_53 : memref<1x!tpu.dma_semaphore, #tpu.memory_space<semaphore_mem>> -> memref<!tpu.dma_semaphore, #tpu.memory_space<semaphore_mem>>
    tpu.enqueue_indirect_dma source(%dma_start3A_52 : memref<20000x128xf32, #tpu.memory_space<hbm>>) target(%dma_start3A_46 : memref<128x128xf32, #tpu.memory_space<vmem>>) offsets(%dma_start3A_49 : memref<128xi32, #tpu.memory_space<vmem>>) semaphore(%dma_start3A_54 : memref<!tpu.dma_semaphore, #tpu.memory_space<semaphore_mem>>)
    %scan3A_55 = arith.constant 0 : i32
    %scan3A_56 = arith.constant 20 : i32
    %scan3A_57 = arith.addi %scan3A_55, %scan3A_56 : i32
    %scan3A_58 = arith.constant 1 : i32
    scf.for %scan3A_80 = %scan3A_55 to %scan3A_57 step %scan3A_58  : i32 {
      %mul3A_81 = arith.constant 2 : i32
      %mul3A_82 = arith.muli %scan3A_80, %mul3A_81 : i32
      %add3A_83 = arith.constant 0 : i32
      %add3A_84 = arith.addi %add3A_83, %mul3A_82 : i32
      %add3A_85 = arith.constant 0 : i32
      %add3A_86 = arith.addi %add3A_84, %add3A_85 : i32
      %ge3A = arith.constant 1 : i32
      %ge3A_87 = arith.cmpi sge, %add3A_86, %ge3A : i32
      %convert_element_type3A = arith.extui %ge3A_87 : i1 to i32
      %cond3A = arith.constant 0 : i32
      %cond3A_88 = arith.cmpi ne, %convert_element_type3A, %cond3A : i32
      scf.if %cond3A_88 {
        %sub3A = arith.constant 1 : i32
        %sub3A_165 = arith.subi %add3A_86, %sub3A : i32
        %dma_wait3A_166 = arith.constant 1 : i32
        %dma_wait3A_167 = arith.constant 1 : i32
        %dma_wait3A_168 = arith.constant 0 : i32
        %dma_wait3A_169 = arith.constant 0 : i32
        %dma_wait3A_170 = tpu.memref_slice %arg9[%dma_wait3A_166, %dma_wait3A_168, %dma_wait3A_169] : memref<2x128x128xf32, #tpu.memory_space<vmem>> -> memref<1x128x128xf32, #tpu.memory_space<vmem>>
        %dma_wait3A_171 = tpu.memref_squeeze %dma_wait3A_170 : memref<1x128x128xf32, #tpu.memory_space<vmem>> -> memref<128x128xf32, #tpu.memory_space<vmem>>
        %dma_wait3A_172 = arith.constant 0 : i32
        %dma_wait3A_173 = tpu.memref_slice %arg8[%sub3A_165, %dma_wait3A_172] : memref<40x128xi32, #tpu.memory_space<vmem>> -> memref<1x128xi32, #tpu.memory_space<vmem>>
        %dma_wait3A_174 = tpu.memref_squeeze %dma_wait3A_173 : memref<1x128xi32, #tpu.memory_space<vmem>> -> memref<128xi32, #tpu.memory_space<vmem>>
        %dma_wait3A_175 = arith.constant 0 : i32
        %dma_wait3A_176 = arith.constant 0 : i32
        %dma_wait3A_177 = tpu.memref_slice %arg10[%dma_wait3A_175, %dma_wait3A_176] : memref<10240x128xf32, #tpu.memory_space<vmem_shared>> -> memref<10240x128xf32, #tpu.memory_space<vmem_shared>>
        %dma_wait3A_178 = tpu.memref_slice %arg12[%dma_wait3A_167] : memref<2x!tpu.dma_semaphore, #tpu.memory_space<semaphore_mem>> -> memref<1x!tpu.dma_semaphore, #tpu.memory_space<semaphore_mem>>
        %dma_wait3A_179 = tpu.memref_squeeze %dma_wait3A_178 : memref<1x!tpu.dma_semaphore, #tpu.memory_space<semaphore_mem>> -> memref<!tpu.dma_semaphore, #tpu.memory_space<semaphore_mem>>
        tpu.wait_indirect_dma semaphore(%dma_wait3A_179 : memref<!tpu.dma_semaphore, #tpu.memory_space<semaphore_mem>>) src(%dma_wait3A_171 : memref<128x128xf32, #tpu.memory_space<vmem>>) dst(%dma_wait3A_177 : memref<10240x128xf32, #tpu.memory_space<vmem_shared>>)
      } else {
      }
      %add3A_89 = arith.constant 1 : i32
      %add3A_90 = arith.addi %add3A_86, %add3A_89 : i32
      %lt3A = arith.constant 40 : i32
      %lt3A_91 = arith.cmpi slt, %add3A_90, %lt3A : i32
      %convert_element_type3A_92 = arith.extui %lt3A_91 : i1 to i32
      %cond3A_93 = arith.constant 0 : i32
      %cond3A_94 = arith.cmpi ne, %convert_element_type3A_92, %cond3A_93 : i32
      scf.if %cond3A_94 {
        %add3A_165 = arith.constant 1 : i32
        %add3A_166 = arith.addi %add3A_86, %add3A_165 : i32
        %dma_start3A_167 = arith.constant 1 : i32
        %dma_start3A_168 = arith.constant 1 : i32
        %dma_start3A_169 = arith.constant 0 : i32
        %dma_start3A_170 = arith.constant 0 : i32
        %dma_start3A_171 = tpu.memref_slice %arg9[%dma_start3A_167, %dma_start3A_169, %dma_start3A_170] : memref<2x128x128xf32, #tpu.memory_space<vmem>> -> memref<1x128x128xf32, #tpu.memory_space<vmem>>
        %dma_start3A_172 = tpu.memref_squeeze %dma_start3A_171 : memref<1x128x128xf32, #tpu.memory_space<vmem>> -> memref<128x128xf32, #tpu.memory_space<vmem>>
        %dma_start3A_173 = arith.constant 0 : i32
        %dma_start3A_174 = tpu.memref_slice %arg7[%add3A_166, %dma_start3A_173] : memref<40x128xi32, #tpu.memory_space<vmem>> -> memref<1x128xi32, #tpu.memory_space<vmem>>
        %dma_start3A_175 = tpu.memref_squeeze %dma_start3A_174 : memref<1x128xi32, #tpu.memory_space<vmem>> -> memref<128xi32, #tpu.memory_space<vmem>>
        %dma_start3A_176 = arith.constant 0 : i32
        %dma_start3A_177 = arith.constant 0 : i32
        %dma_start3A_178 = tpu.memref_slice %arg2[%dma_start3A_176, %dma_start3A_177] : memref<20000x128xf32, #tpu.memory_space<hbm>> -> memref<20000x128xf32, #tpu.memory_space<hbm>>
        %dma_start3A_179 = tpu.memref_slice %arg11[%dma_start3A_168] : memref<2x!tpu.dma_semaphore, #tpu.memory_space<semaphore_mem>> -> memref<1x!tpu.dma_semaphore, #tpu.memory_space<semaphore_mem>>
        %dma_start3A_180 = tpu.memref_squeeze %dma_start3A_179 : memref<1x!tpu.dma_semaphore, #tpu.memory_space<semaphore_mem>> -> memref<!tpu.dma_semaphore, #tpu.memory_space<semaphore_mem>>
        tpu.enqueue_indirect_dma source(%dma_start3A_178 : memref<20000x128xf32, #tpu.memory_space<hbm>>) target(%dma_start3A_172 : memref<128x128xf32, #tpu.memory_space<vmem>>) offsets(%dma_start3A_175 : memref<128xi32, #tpu.memory_space<vmem>>) semaphore(%dma_start3A_180 : memref<!tpu.dma_semaphore, #tpu.memory_space<semaphore_mem>>)
      } else {
      }
      %dma_wait3A_95 = arith.constant 0 : i32
      %dma_wait3A_96 = arith.constant 0 : i32
      %dma_wait3A_97 = arith.constant 0 : i32
      %dma_wait3A_98 = arith.constant 0 : i32
      %dma_wait3A_99 = tpu.memref_slice %arg9[%dma_wait3A_95, %dma_wait3A_97, %dma_wait3A_98] : memref<2x128x128xf32, #tpu.memory_space<vmem>> -> memref<1x128x128xf32, #tpu.memory_space<vmem>>
      %dma_wait3A_100 = tpu.memref_squeeze %dma_wait3A_99 : memref<1x128x128xf32, #tpu.memory_space<vmem>> -> memref<128x128xf32, #tpu.memory_space<vmem>>
      %dma_wait3A_101 = arith.constant 0 : i32
      %dma_wait3A_102 = tpu.memref_slice %arg7[%add3A_86, %dma_wait3A_101] : memref<40x128xi32, #tpu.memory_space<vmem>> -> memref<1x128xi32, #tpu.memory_space<vmem>>
      %dma_wait3A_103 = tpu.memref_squeeze %dma_wait3A_102 : memref<1x128xi32, #tpu.memory_space<vmem>> -> memref<128xi32, #tpu.memory_space<vmem>>
      %dma_wait3A_104 = arith.constant 0 : i32
      %dma_wait3A_105 = arith.constant 0 : i32
      %dma_wait3A_106 = tpu.memref_slice %arg2[%dma_wait3A_104, %dma_wait3A_105] : memref<20000x128xf32, #tpu.memory_space<hbm>> -> memref<20000x128xf32, #tpu.memory_space<hbm>>
      %dma_wait3A_107 = tpu.memref_slice %arg11[%dma_wait3A_96] : memref<2x!tpu.dma_semaphore, #tpu.memory_space<semaphore_mem>> -> memref<1x!tpu.dma_semaphore, #tpu.memory_space<semaphore_mem>>
      %dma_wait3A_108 = tpu.memref_squeeze %dma_wait3A_107 : memref<1x!tpu.dma_semaphore, #tpu.memory_space<semaphore_mem>> -> memref<!tpu.dma_semaphore, #tpu.memory_space<semaphore_mem>>
      tpu.wait_indirect_dma semaphore(%dma_wait3A_108 : memref<!tpu.dma_semaphore, #tpu.memory_space<semaphore_mem>>) src(%dma_wait3A_106 : memref<20000x128xf32, #tpu.memory_space<hbm>>) dst(%dma_wait3A_100 : memref<128x128xf32, #tpu.memory_space<vmem>>)
      %dma_start3A_109 = arith.constant 0 : i32
      %dma_start3A_110 = arith.constant 0 : i32
      %dma_start3A_111 = arith.constant 0 : i32
      %dma_start3A_112 = arith.constant 0 : i32
      %dma_start3A_113 = tpu.memref_slice %arg9[%dma_start3A_109, %dma_start3A_111, %dma_start3A_112] : memref<2x128x128xf32, #tpu.memory_space<vmem>> -> memref<1x128x128xf32, #tpu.memory_space<vmem>>
      %dma_start3A_114 = tpu.memref_squeeze %dma_start3A_113 : memref<1x128x128xf32, #tpu.memory_space<vmem>> -> memref<128x128xf32, #tpu.memory_space<vmem>>
      %dma_start3A_115 = arith.constant 0 : i32
      %dma_start3A_116 = tpu.memref_slice %arg8[%add3A_86, %dma_start3A_115] : memref<40x128xi32, #tpu.memory_space<vmem>> -> memref<1x128xi32, #tpu.memory_space<vmem>>
      %dma_start3A_117 = tpu.memref_squeeze %dma_start3A_116 : memref<1x128xi32, #tpu.memory_space<vmem>> -> memref<128xi32, #tpu.memory_space<vmem>>
      %dma_start3A_118 = arith.constant 0 : i32
      %dma_start3A_119 = arith.constant 0 : i32
      %dma_start3A_120 = tpu.memref_slice %arg10[%dma_start3A_118, %dma_start3A_119] : memref<10240x128xf32, #tpu.memory_space<vmem_shared>> -> memref<10240x128xf32, #tpu.memory_space<vmem_shared>>
      %dma_start3A_121 = tpu.memref_slice %arg12[%dma_start3A_110] : memref<2x!tpu.dma_semaphore, #tpu.memory_space<semaphore_mem>> -> memref<1x!tpu.dma_semaphore, #tpu.memory_space<semaphore_mem>>
      %dma_start3A_122 = tpu.memref_squeeze %dma_start3A_121 : memref<1x!tpu.dma_semaphore, #tpu.memory_space<semaphore_mem>> -> memref<!tpu.dma_semaphore, #tpu.memory_space<semaphore_mem>>
      tpu.enqueue_indirect_dma source(%dma_start3A_114 : memref<128x128xf32, #tpu.memory_space<vmem>>) target(%dma_start3A_120 : memref<10240x128xf32, #tpu.memory_space<vmem_shared>>) offsets(%dma_start3A_117 : memref<128xi32, #tpu.memory_space<vmem>>) semaphore(%dma_start3A_122 : memref<!tpu.dma_semaphore, #tpu.memory_space<semaphore_mem>>) {add = true}
      %add3A_123 = arith.constant 1 : i32
      %add3A_124 = arith.addi %add3A_84, %add3A_123 : i32
      %ge3A_125 = arith.constant 1 : i32
      %ge3A_126 = arith.cmpi sge, %add3A_124, %ge3A_125 : i32
      %convert_element_type3A_127 = arith.extui %ge3A_126 : i1 to i32
      %cond3A_128 = arith.constant 0 : i32
      %cond3A_129 = arith.cmpi ne, %convert_element_type3A_127, %cond3A_128 : i32
      scf.if %cond3A_129 {
        %sub3A = arith.constant 1 : i32
        %sub3A_165 = arith.subi %add3A_124, %sub3A : i32
        %dma_wait3A_166 = arith.constant 0 : i32
        %dma_wait3A_167 = arith.constant 0 : i32
        %dma_wait3A_168 = arith.constant 0 : i32
        %dma_wait3A_169 = arith.constant 0 : i32
        %dma_wait3A_170 = tpu.memref_slice %arg9[%dma_wait3A_166, %dma_wait3A_168, %dma_wait3A_169] : memref<2x128x128xf32, #tpu.memory_space<vmem>> -> memref<1x128x128xf32, #tpu.memory_space<vmem>>
        %dma_wait3A_171 = tpu.memref_squeeze %dma_wait3A_170 : memref<1x128x128xf32, #tpu.memory_space<vmem>> -> memref<128x128xf32, #tpu.memory_space<vmem>>
        %dma_wait3A_172 = arith.constant 0 : i32
        %dma_wait3A_173 = tpu.memref_slice %arg8[%sub3A_165, %dma_wait3A_172] : memref<40x128xi32, #tpu.memory_space<vmem>> -> memref<1x128xi32, #tpu.memory_space<vmem>>
        %dma_wait3A_174 = tpu.memref_squeeze %dma_wait3A_173 : memref<1x128xi32, #tpu.memory_space<vmem>> -> memref<128xi32, #tpu.memory_space<vmem>>
        %dma_wait3A_175 = arith.constant 0 : i32
        %dma_wait3A_176 = arith.constant 0 : i32
        %dma_wait3A_177 = tpu.memref_slice %arg10[%dma_wait3A_175, %dma_wait3A_176] : memref<10240x128xf32, #tpu.memory_space<vmem_shared>> -> memref<10240x128xf32, #tpu.memory_space<vmem_shared>>
        %dma_wait3A_178 = tpu.memref_slice %arg12[%dma_wait3A_167] : memref<2x!tpu.dma_semaphore, #tpu.memory_space<semaphore_mem>> -> memref<1x!tpu.dma_semaphore, #tpu.memory_space<semaphore_mem>>
        %dma_wait3A_179 = tpu.memref_squeeze %dma_wait3A_178 : memref<1x!tpu.dma_semaphore, #tpu.memory_space<semaphore_mem>> -> memref<!tpu.dma_semaphore, #tpu.memory_space<semaphore_mem>>
        tpu.wait_indirect_dma semaphore(%dma_wait3A_179 : memref<!tpu.dma_semaphore, #tpu.memory_space<semaphore_mem>>) src(%dma_wait3A_171 : memref<128x128xf32, #tpu.memory_space<vmem>>) dst(%dma_wait3A_177 : memref<10240x128xf32, #tpu.memory_space<vmem_shared>>)
      } else {
      }
      %add3A_130 = arith.constant 1 : i32
      %add3A_131 = arith.addi %add3A_124, %add3A_130 : i32
      %lt3A_132 = arith.constant 40 : i32
      %lt3A_133 = arith.cmpi slt, %add3A_131, %lt3A_132 : i32
      %convert_element_type3A_134 = arith.extui %lt3A_133 : i1 to i32
      %cond3A_135 = arith.constant 0 : i32
      %cond3A_136 = arith.cmpi ne, %convert_element_type3A_134, %cond3A_135 : i32
      scf.if %cond3A_136 {
        %add3A_165 = arith.constant 1 : i32
        %add3A_166 = arith.addi %add3A_124, %add3A_165 : i32
        %dma_start3A_167 = arith.constant 0 : i32
        %dma_start3A_168 = arith.constant 0 : i32
        %dma_start3A_169 = arith.constant 0 : i32
        %dma_start3A_170 = arith.constant 0 : i32
        %dma_start3A_171 = tpu.memref_slice %arg9[%dma_start3A_167, %dma_start3A_169, %dma_start3A_170] : memref<2x128x128xf32, #tpu.memory_space<vmem>> -> memref<1x128x128xf32, #tpu.memory_space<vmem>>
        %dma_start3A_172 = tpu.memref_squeeze %dma_start3A_171 : memref<1x128x128xf32, #tpu.memory_space<vmem>> -> memref<128x128xf32, #tpu.memory_space<vmem>>
        %dma_start3A_173 = arith.constant 0 : i32
        %dma_start3A_174 = tpu.memref_slice %arg7[%add3A_166, %dma_start3A_173] : memref<40x128xi32, #tpu.memory_space<vmem>> -> memref<1x128xi32, #tpu.memory_space<vmem>>
        %dma_start3A_175 = tpu.memref_squeeze %dma_start3A_174 : memref<1x128xi32, #tpu.memory_space<vmem>> -> memref<128xi32, #tpu.memory_space<vmem>>
        %dma_start3A_176 = arith.constant 0 : i32
        %dma_start3A_177 = arith.constant 0 : i32
        %dma_start3A_178 = tpu.memref_slice %arg2[%dma_start3A_176, %dma_start3A_177] : memref<20000x128xf32, #tpu.memory_space<hbm>> -> memref<20000x128xf32, #tpu.memory_space<hbm>>
        %dma_start3A_179 = tpu.memref_slice %arg11[%dma_start3A_168] : memref<2x!tpu.dma_semaphore, #tpu.memory_space<semaphore_mem>> -> memref<1x!tpu.dma_semaphore, #tpu.memory_space<semaphore_mem>>
        %dma_start3A_180 = tpu.memref_squeeze %dma_start3A_179 : memref<1x!tpu.dma_semaphore, #tpu.memory_space<semaphore_mem>> -> memref<!tpu.dma_semaphore, #tpu.memory_space<semaphore_mem>>
        tpu.enqueue_indirect_dma source(%dma_start3A_178 : memref<20000x128xf32, #tpu.memory_space<hbm>>) target(%dma_start3A_172 : memref<128x128xf32, #tpu.memory_space<vmem>>) offsets(%dma_start3A_175 : memref<128xi32, #tpu.memory_space<vmem>>) semaphore(%dma_start3A_180 : memref<!tpu.dma_semaphore, #tpu.memory_space<semaphore_mem>>)
      } else {
      }
      %dma_wait3A_137 = arith.constant 1 : i32
      %dma_wait3A_138 = arith.constant 1 : i32
      %dma_wait3A_139 = arith.constant 0 : i32
      %dma_wait3A_140 = arith.constant 0 : i32
      %dma_wait3A_141 = tpu.memref_slice %arg9[%dma_wait3A_137, %dma_wait3A_139, %dma_wait3A_140] : memref<2x128x128xf32, #tpu.memory_space<vmem>> -> memref<1x128x128xf32, #tpu.memory_space<vmem>>
      %dma_wait3A_142 = tpu.memref_squeeze %dma_wait3A_141 : memref<1x128x128xf32, #tpu.memory_space<vmem>> -> memref<128x128xf32, #tpu.memory_space<vmem>>
      %dma_wait3A_143 = arith.constant 0 : i32
      %dma_wait3A_144 = tpu.memref_slice %arg7[%add3A_124, %dma_wait3A_143] : memref<40x128xi32, #tpu.memory_space<vmem>> -> memref<1x128xi32, #tpu.memory_space<vmem>>
      %dma_wait3A_145 = tpu.memref_squeeze %dma_wait3A_144 : memref<1x128xi32, #tpu.memory_space<vmem>> -> memref<128xi32, #tpu.memory_space<vmem>>
      %dma_wait3A_146 = arith.constant 0 : i32
      %dma_wait3A_147 = arith.constant 0 : i32
      %dma_wait3A_148 = tpu.memref_slice %arg2[%dma_wait3A_146, %dma_wait3A_147] : memref<20000x128xf32, #tpu.memory_space<hbm>> -> memref<20000x128xf32, #tpu.memory_space<hbm>>
      %dma_wait3A_149 = tpu.memref_slice %arg11[%dma_wait3A_138] : memref<2x!tpu.dma_semaphore, #tpu.memory_space<semaphore_mem>> -> memref<1x!tpu.dma_semaphore, #tpu.memory_space<semaphore_mem>>
      %dma_wait3A_150 = tpu.memref_squeeze %dma_wait3A_149 : memref<1x!tpu.dma_semaphore, #tpu.memory_space<semaphore_mem>> -> memref<!tpu.dma_semaphore, #tpu.memory_space<semaphore_mem>>
      tpu.wait_indirect_dma semaphore(%dma_wait3A_150 : memref<!tpu.dma_semaphore, #tpu.memory_space<semaphore_mem>>) src(%dma_wait3A_148 : memref<20000x128xf32, #tpu.memory_space<hbm>>) dst(%dma_wait3A_142 : memref<128x128xf32, #tpu.memory_space<vmem>>)
      %dma_start3A_151 = arith.constant 1 : i32
      %dma_start3A_152 = arith.constant 1 : i32
      %dma_start3A_153 = arith.constant 0 : i32
      %dma_start3A_154 = arith.constant 0 : i32
      %dma_start3A_155 = tpu.memref_slice %arg9[%dma_start3A_151, %dma_start3A_153, %dma_start3A_154] : memref<2x128x128xf32, #tpu.memory_space<vmem>> -> memref<1x128x128xf32, #tpu.memory_space<vmem>>
      %dma_start3A_156 = tpu.memref_squeeze %dma_start3A_155 : memref<1x128x128xf32, #tpu.memory_space<vmem>> -> memref<128x128xf32, #tpu.memory_space<vmem>>
      %dma_start3A_157 = arith.constant 0 : i32
      %dma_start3A_158 = tpu.memref_slice %arg8[%add3A_124, %dma_start3A_157] : memref<40x128xi32, #tpu.memory_space<vmem>> -> memref<1x128xi32, #tpu.memory_space<vmem>>
      %dma_start3A_159 = tpu.memref_squeeze %dma_start3A_158 : memref<1x128xi32, #tpu.memory_space<vmem>> -> memref<128xi32, #tpu.memory_space<vmem>>
      %dma_start3A_160 = arith.constant 0 : i32
      %dma_start3A_161 = arith.constant 0 : i32
      %dma_start3A_162 = tpu.memref_slice %arg10[%dma_start3A_160, %dma_start3A_161] : memref<10240x128xf32, #tpu.memory_space<vmem_shared>> -> memref<10240x128xf32, #tpu.memory_space<vmem_shared>>
      %dma_start3A_163 = tpu.memref_slice %arg12[%dma_start3A_152] : memref<2x!tpu.dma_semaphore, #tpu.memory_space<semaphore_mem>> -> memref<1x!tpu.dma_semaphore, #tpu.memory_space<semaphore_mem>>
      %dma_start3A_164 = tpu.memref_squeeze %dma_start3A_163 : memref<1x!tpu.dma_semaphore, #tpu.memory_space<semaphore_mem>> -> memref<!tpu.dma_semaphore, #tpu.memory_space<semaphore_mem>>
      tpu.enqueue_indirect_dma source(%dma_start3A_156 : memref<128x128xf32, #tpu.memory_space<vmem>>) target(%dma_start3A_162 : memref<10240x128xf32, #tpu.memory_space<vmem_shared>>) offsets(%dma_start3A_159 : memref<128xi32, #tpu.memory_space<vmem>>) semaphore(%dma_start3A_164 : memref<!tpu.dma_semaphore, #tpu.memory_space<semaphore_mem>>) {add = true}
    }
    %scan3A_59 = arith.constant 20 : i32
    %dma_wait3A_60 = arith.constant 1 : i32
    %dma_wait3A_61 = arith.constant 39 : i32
    %dma_wait3A_62 = arith.constant 1 : i32
    %dma_wait3A_63 = arith.constant 0 : i32
    %dma_wait3A_64 = arith.constant 0 : i32
    %dma_wait3A_65 = tpu.memref_slice %arg9[%dma_wait3A_60, %dma_wait3A_63, %dma_wait3A_64] : memref<2x128x128xf32, #tpu.memory_space<vmem>> -> memref<1x128x128xf32, #tpu.memory_space<vmem>>
    %dma_wait3A_66 = tpu.memref_squeeze %dma_wait3A_65 : memref<1x128x128xf32, #tpu.memory_space<vmem>> -> memref<128x128xf32, #tpu.memory_space<vmem>>
    %dma_wait3A_67 = arith.constant 0 : i32
    %dma_wait3A_68 = tpu.memref_slice %arg8[%dma_wait3A_61, %dma_wait3A_67] : memref<40x128xi32, #tpu.memory_space<vmem>> -> memref<1x128xi32, #tpu.memory_space<vmem>>
    %dma_wait3A_69 = tpu.memref_squeeze %dma_wait3A_68 : memref<1x128xi32, #tpu.memory_space<vmem>> -> memref<128xi32, #tpu.memory_space<vmem>>
    %dma_wait3A_70 = arith.constant 0 : i32
    %dma_wait3A_71 = arith.constant 0 : i32
    %dma_wait3A_72 = tpu.memref_slice %arg10[%dma_wait3A_70, %dma_wait3A_71] : memref<10240x128xf32, #tpu.memory_space<vmem_shared>> -> memref<10240x128xf32, #tpu.memory_space<vmem_shared>>
    %dma_wait3A_73 = tpu.memref_slice %arg12[%dma_wait3A_62] : memref<2x!tpu.dma_semaphore, #tpu.memory_space<semaphore_mem>> -> memref<1x!tpu.dma_semaphore, #tpu.memory_space<semaphore_mem>>
    %dma_wait3A_74 = tpu.memref_squeeze %dma_wait3A_73 : memref<1x!tpu.dma_semaphore, #tpu.memory_space<semaphore_mem>> -> memref<!tpu.dma_semaphore, #tpu.memory_space<semaphore_mem>>
    tpu.wait_indirect_dma semaphore(%dma_wait3A_74 : memref<!tpu.dma_semaphore, #tpu.memory_space<semaphore_mem>>) src(%dma_wait3A_66 : memref<128x128xf32, #tpu.memory_space<vmem>>) dst(%dma_wait3A_72 : memref<10240x128xf32, #tpu.memory_space<vmem_shared>>)
    %barrier3A_75 = arith.constant 0 : index
    tpu.barrier barrier_id(%barrier3A_75)
    %mul3A_76 = arith.constant 640 : i32
    %mul3A_77 = arith.muli %arg1, %mul3A_76 : i32
    %mul3A_78 = arith.constant 640 : i32
    %mul3A_79 = arith.muli %arg1, %mul3A_78 : i32
    "tpu.region"() ({
      %run_scoped3A = tpu.sem_alloc : memref<!tpu.dma_semaphore, #tpu.memory_space<semaphore_mem>>
      %dma_start3A_80 = arith.constant 0 : i32
      %dma_start3A_81 = tpu.memref_slice %arg6[%arg0, %mul3A_79, %dma_start3A_80] : memref<2x10240x128xf32, #tpu.memory_space<hbm>> -> memref<1x640x128xf32, #tpu.memory_space<hbm>>
      %dma_start3A_82 = tpu.memref_squeeze %dma_start3A_81 : memref<1x640x128xf32, #tpu.memory_space<hbm>> -> memref<640x128xf32, #tpu.memory_space<hbm>>
      %dma_start3A_83 = arith.constant 0 : i32
      %dma_start3A_84 = tpu.memref_slice %arg10[%mul3A_77, %dma_start3A_83] : memref<10240x128xf32, #tpu.memory_space<vmem_shared>> -> memref<640x128xf32, #tpu.memory_space<vmem_shared>>
      tpu.enqueue_dma source(%dma_start3A_84 : memref<640x128xf32, #tpu.memory_space<vmem_shared>>) target(%dma_start3A_82 : memref<640x128xf32, #tpu.memory_space<hbm>>) target_semaphore(%run_scoped3A : memref<!tpu.dma_semaphore, #tpu.memory_space<semaphore_mem>>)
      %dma_wait3A_85 = arith.constant 0 : i32
      %dma_wait3A_86 = tpu.memref_slice %arg6[%arg0, %mul3A_79, %dma_wait3A_85] : memref<2x10240x128xf32, #tpu.memory_space<hbm>> -> memref<1x640x128xf32, #tpu.memory_space<hbm>>
      %dma_wait3A_87 = tpu.memref_squeeze %dma_wait3A_86 : memref<1x640x128xf32, #tpu.memory_space<hbm>> -> memref<640x128xf32, #tpu.memory_space<hbm>>
      %dma_wait3A_88 = arith.constant 0 : i32
      %dma_wait3A_89 = tpu.memref_slice %arg10[%mul3A_77, %dma_wait3A_88] : memref<10240x128xf32, #tpu.memory_space<vmem_shared>> -> memref<640x128xf32, #tpu.memory_space<vmem_shared>>
      tpu.wait_dma2 semaphore(%run_scoped3A : memref<!tpu.dma_semaphore, #tpu.memory_space<semaphore_mem>>) src(%dma_wait3A_89 : memref<640x128xf32, #tpu.memory_space<vmem_shared>>) dst(%dma_wait3A_87 : memref<640x128xf32, #tpu.memory_space<hbm>>)
      tpu.yield
    }) : () -> ()
    return
  }
}

module attributes {stable_mosaic.version = 14 : i64} {
  func.func @_tc_body(%arg0: i32, %arg1: memref<2x400x128xf32, #tpu.memory_space<vmem>>, %arg2: memref<2x400x128xf32, #tpu.memory_space<vmem>>, %arg3: memref<256x256xf32, #tpu.memory_space<vmem>>, %arg4: memref<1x256xf32, #tpu.memory_space<vmem>>, %arg5: memref<256x256xf32, #tpu.memory_space<vmem>>, %arg6: memref<1x256xf32, #tpu.memory_space<vmem>>, %arg7: memref<2x400x128xf32, #tpu.memory_space<vmem>>) attributes {dimension_semantics = [#tpu.dimension_semantics<arbitrary>], iteration_bounds = array<i64: 25>, scalar_prefetch = 0 : i64, scratch_operands = 0 : i64, tpu.core_type = #tpu.core_type<tc>, window_params = [{transform_indices = @transform_0, window_bounds = array<i64: 2, 400, 128>}, {transform_indices = @transform_1, window_bounds = array<i64: 2, 400, 128>}, {pipeline_mode = #tpu.pipeline_mode<synchronous>, transform_indices = @transform_2, window_bounds = array<i64: 256, 256>}, {pipeline_mode = #tpu.pipeline_mode<synchronous>, transform_indices = @transform_3, window_bounds = array<i64: 1, 256>}, {pipeline_mode = #tpu.pipeline_mode<synchronous>, transform_indices = @transform_4, window_bounds = array<i64: 256, 256>}, {pipeline_mode = #tpu.pipeline_mode<synchronous>, transform_indices = @transform_5, window_bounds = array<i64: 1, 256>}, {transform_indices = @transform_6, window_bounds = array<i64: 2, 400, 128>}]} {
    %get3A = arith.constant 0 : index
    %get3A_0 = arith.constant 0 : index
    %get3A_1 = arith.constant 0 : index
    %get3A_2 = vector.load %arg1[%get3A, %get3A_0, %get3A_1] : memref<2x400x128xf32, #tpu.memory_space<vmem>>, vector<1x400x128xf32>
    %get3A_3 = vector.shape_cast %get3A_2 : vector<1x400x128xf32> to vector<400x128xf32>
    %get3A_4 = arith.constant 0 : index
    %get3A_5 = arith.constant 0 : index
    %get3A_6 = arith.constant 0 : index
    %get3A_7 = vector.load %arg2[%get3A_4, %get3A_5, %get3A_6] : memref<2x400x128xf32, #tpu.memory_space<vmem>>, vector<1x400x128xf32>
    %get3A_8 = vector.shape_cast %get3A_7 : vector<1x400x128xf32> to vector<400x128xf32>
    %add3A = arith.addf %get3A_3, %get3A_8 : vector<400x128xf32>
    %get3A_9 = arith.constant 1 : index
    %get3A_10 = arith.constant 0 : index
    %get3A_11 = arith.constant 0 : index
    %get3A_12 = vector.load %arg1[%get3A_9, %get3A_10, %get3A_11] : memref<2x400x128xf32, #tpu.memory_space<vmem>>, vector<1x400x128xf32>
    %get3A_13 = vector.shape_cast %get3A_12 : vector<1x400x128xf32> to vector<400x128xf32>
    %get3A_14 = arith.constant 1 : index
    %get3A_15 = arith.constant 0 : index
    %get3A_16 = arith.constant 0 : index
    %get3A_17 = vector.load %arg2[%get3A_14, %get3A_15, %get3A_16] : memref<2x400x128xf32, #tpu.memory_space<vmem>>, vector<1x400x128xf32>
    %get3A_18 = vector.shape_cast %get3A_17 : vector<1x400x128xf32> to vector<400x128xf32>
    %add3A_19 = arith.addf %get3A_13, %get3A_18 : vector<400x128xf32>
    %concatenate3A = tpu.concatenate %add3A, %add3A_19 in 1 : vector<400x128xf32>, vector<400x128xf32> -> vector<400x256xf32>
    %convert_element_type3A = arith.truncf %concatenate3A : vector<400x256xf32> to vector<400x256xbf16>
    %get3A_20 = arith.constant 0 : index
    %get3A_21 = arith.constant 0 : index
    %get3A_22 = vector.load %arg3[%get3A_20, %get3A_21] : memref<256x256xf32, #tpu.memory_space<vmem>>, vector<256x256xf32>
    %convert_element_type3A_23 = arith.truncf %get3A_22 : vector<256x256xf32> to vector<256x256xbf16>
    %dot_general3A = arith.constant dense<0.000000e+00> : vector<400x256xf32>
    %dot_general3A_24 = tpu.matmul %convert_element_type3A, %convert_element_type3A_23, %dot_general3A {dimension_numbers = #tpu.dot_dimension_numbers<[1], [0], [0], [1], [0, 0, 1, 1], [], []>, transpose_lhs_hint = false} : vector<400x256xbf16>, vector<256x256xbf16>, vector<400x256xf32> -> vector<400x256xf32>
    %get3A_25 = arith.constant 0 : index
    %get3A_26 = arith.constant 0 : index
    %get3A_27 = vector.load %arg4[%get3A_25, %get3A_26] : memref<1x256xf32, #tpu.memory_space<vmem>>, vector<1x256xf32>
    %add3A_28 = vector.broadcast %get3A_27 : vector<1x256xf32> to vector<400x256xf32>
    %add3A_29 = arith.addf %dot_general3A_24, %add3A_28 : vector<400x256xf32>
    %max3A = arith.constant 0.000000e+00 : f32
    %max3A_30 = vector.broadcast %max3A : f32 to vector<400x256xf32>
    %max3A_31 = arith.maximumf %add3A_29, %max3A_30 : vector<400x256xf32>
    %convert_element_type3A_32 = arith.truncf %max3A_31 : vector<400x256xf32> to vector<400x256xbf16>
    %get3A_33 = arith.constant 0 : index
    %get3A_34 = arith.constant 0 : index
    %get3A_35 = vector.load %arg5[%get3A_33, %get3A_34] : memref<256x256xf32, #tpu.memory_space<vmem>>, vector<256x256xf32>
    %convert_element_type3A_36 = arith.truncf %get3A_35 : vector<256x256xf32> to vector<256x256xbf16>
    %dot_general3A_37 = arith.constant dense<0.000000e+00> : vector<400x256xf32>
    %dot_general3A_38 = tpu.matmul %convert_element_type3A_32, %convert_element_type3A_36, %dot_general3A_37 {dimension_numbers = #tpu.dot_dimension_numbers<[1], [0], [0], [1], [0, 0, 1, 1], [], []>, transpose_lhs_hint = false} : vector<400x256xbf16>, vector<256x256xbf16>, vector<400x256xf32> -> vector<400x256xf32>
    %get3A_39 = arith.constant 0 : index
    %get3A_40 = arith.constant 0 : index
    %get3A_41 = vector.load %arg6[%get3A_39, %get3A_40] : memref<1x256xf32, #tpu.memory_space<vmem>>, vector<1x256xf32>
    %add3A_42 = vector.broadcast %get3A_41 : vector<1x256xf32> to vector<400x256xf32>
    %add3A_43 = arith.addf %dot_general3A_38, %add3A_42 : vector<400x256xf32>
    %max3A_44 = arith.constant 0.000000e+00 : f32
    %max3A_45 = vector.broadcast %max3A_44 : f32 to vector<400x256xf32>
    %max3A_46 = arith.maximumf %add3A_43, %max3A_45 : vector<400x256xf32>
    %slice3A = vector.extract_strided_slice %max3A_46 {offsets = [0, 0], sizes = [400, 128], strides = [1, 1]} : vector<400x256xf32> to vector<400x128xf32>
    %swap3A = arith.constant 0 : index
    %swap3A_47 = arith.constant 0 : index
    %swap3A_48 = arith.constant 0 : index
    %swap3A_49 = vector.load %arg7[%swap3A, %swap3A_47, %swap3A_48] : memref<2x400x128xf32, #tpu.memory_space<vmem>>, vector<1x400x128xf32>
    %swap3A_50 = vector.shape_cast %swap3A_49 : vector<1x400x128xf32> to vector<400x128xf32>
    %swap3A_51 = vector.shape_cast %slice3A : vector<400x128xf32> to vector<1x400x128xf32>
    tpu.vector_store %arg7[%swap3A, %swap3A_47, %swap3A_48], %swap3A_51 {strides = array<i32>} : memref<2x400x128xf32, #tpu.memory_space<vmem>>, vector<1x400x128xf32>,
    %slice3A_52 = vector.extract_strided_slice %max3A_46 {offsets = [0, 128], sizes = [400, 128], strides = [1, 1]} : vector<400x256xf32> to vector<400x128xf32>
    %swap3A_53 = arith.constant 1 : index
    %swap3A_54 = arith.constant 0 : index
    %swap3A_55 = arith.constant 0 : index
    %swap3A_56 = vector.load %arg7[%swap3A_53, %swap3A_54, %swap3A_55] : memref<2x400x128xf32, #tpu.memory_space<vmem>>, vector<1x400x128xf32>
    %swap3A_57 = vector.shape_cast %swap3A_56 : vector<1x400x128xf32> to vector<400x128xf32>
    %swap3A_58 = vector.shape_cast %slice3A_52 : vector<400x128xf32> to vector<1x400x128xf32>
    tpu.vector_store %arg7[%swap3A_53, %swap3A_54, %swap3A_55], %swap3A_58 {strides = array<i32>} : memref<2x400x128xf32, #tpu.memory_space<vmem>>, vector<1x400x128xf32>,
    return
  }
  func.func @transform_0(%arg0: i32) -> (i32, i32, i32) {
    %c0_i32 = arith.constant 0 : i32
    %c0_i32_0 = arith.constant 0 : i32
    %c0_i32_1 = arith.constant 0 : i32
    return %c0_i32, %arg0, %c0_i32_0 : i32, i32, i32
  }
  func.func @transform_1(%arg0: i32) -> (i32, i32, i32) {
    %c0_i32 = arith.constant 0 : i32
    %c0_i32_0 = arith.constant 0 : i32
    %c0_i32_1 = arith.constant 0 : i32
    return %c0_i32, %arg0, %c0_i32_0 : i32, i32, i32
  }
  func.func @transform_2(%arg0: i32) -> (i32, i32) {
    %c0_i32 = arith.constant 0 : i32
    %c0_i32_0 = arith.constant 0 : i32
    %c0_i32_1 = arith.constant 0 : i32
    return %c0_i32, %c0_i32_0 : i32, i32
  }
  func.func @transform_3(%arg0: i32) -> (i32, i32) {
    %c0_i32 = arith.constant 0 : i32
    %c0_i32_0 = arith.constant 0 : i32
    %c0_i32_1 = arith.constant 0 : i32
    return %c0_i32, %c0_i32_0 : i32, i32
  }
  func.func @transform_4(%arg0: i32) -> (i32, i32) {
    %c0_i32 = arith.constant 0 : i32
    %c0_i32_0 = arith.constant 0 : i32
    %c0_i32_1 = arith.constant 0 : i32
    return %c0_i32, %c0_i32_0 : i32, i32
  }
  func.func @transform_5(%arg0: i32) -> (i32, i32) {
    %c0_i32 = arith.constant 0 : i32
    %c0_i32_0 = arith.constant 0 : i32
    %c0_i32_1 = arith.constant 0 : i32
    return %c0_i32, %c0_i32_0 : i32, i32
  }
  func.func @transform_6(%arg0: i32) -> (i32, i32, i32) {
    %c0_i32 = arith.constant 0 : i32
    %c0_i32_0 = arith.constant 0 : i32
    %c0_i32_1 = arith.constant 0 : i32
    return %c0_i32, %arg0, %c0_i32_0 : i32, i32, i32
  }
}

module attributes {stable_mosaic.version = 14 : i64} {
  func.func @_tc_body(%arg0: i32, %arg1: memref<2x400x128xf32, #tpu.memory_space<vmem>>, %arg2: memref<2x400x128xf32, #tpu.memory_space<vmem>>, %arg3: memref<256x256xf32, #tpu.memory_space<vmem>>, %arg4: memref<1x256xf32, #tpu.memory_space<vmem>>, %arg5: memref<256x256xf32, #tpu.memory_space<vmem>>, %arg6: memref<1x256xf32, #tpu.memory_space<vmem>>, %arg7: memref<400x256xf32, #tpu.memory_space<vmem>>) attributes {dimension_semantics = [#tpu.dimension_semantics<arbitrary>], iteration_bounds = array<i64: 25>, scalar_prefetch = 0 : i64, scratch_operands = 0 : i64, tpu.core_type = #tpu.core_type<tc>, window_params = [{transform_indices = @transform_0, window_bounds = array<i64: 2, 400, 128>}, {transform_indices = @transform_1, window_bounds = array<i64: 2, 400, 128>}, {pipeline_mode = #tpu.pipeline_mode<synchronous>, transform_indices = @transform_2, window_bounds = array<i64: 256, 256>}, {pipeline_mode = #tpu.pipeline_mode<synchronous>, transform_indices = @transform_3, window_bounds = array<i64: 1, 256>}, {pipeline_mode = #tpu.pipeline_mode<synchronous>, transform_indices = @transform_4, window_bounds = array<i64: 256, 256>}, {pipeline_mode = #tpu.pipeline_mode<synchronous>, transform_indices = @transform_5, window_bounds = array<i64: 1, 256>}, {transform_indices = @transform_6, window_bounds = array<i64: 400, 256>}]} {
    %get3A = arith.constant 0 : index
    %get3A_0 = arith.constant 0 : index
    %get3A_1 = arith.constant 0 : index
    %get3A_2 = vector.load %arg1[%get3A, %get3A_0, %get3A_1] : memref<2x400x128xf32, #tpu.memory_space<vmem>>, vector<1x400x128xf32>
    %get3A_3 = vector.shape_cast %get3A_2 : vector<1x400x128xf32> to vector<400x128xf32>
    %get3A_4 = arith.constant 0 : index
    %get3A_5 = arith.constant 0 : index
    %get3A_6 = arith.constant 0 : index
    %get3A_7 = vector.load %arg2[%get3A_4, %get3A_5, %get3A_6] : memref<2x400x128xf32, #tpu.memory_space<vmem>>, vector<1x400x128xf32>
    %get3A_8 = vector.shape_cast %get3A_7 : vector<1x400x128xf32> to vector<400x128xf32>
    %add3A = arith.addf %get3A_3, %get3A_8 : vector<400x128xf32>
    %get3A_9 = arith.constant 1 : index
    %get3A_10 = arith.constant 0 : index
    %get3A_11 = arith.constant 0 : index
    %get3A_12 = vector.load %arg1[%get3A_9, %get3A_10, %get3A_11] : memref<2x400x128xf32, #tpu.memory_space<vmem>>, vector<1x400x128xf32>
    %get3A_13 = vector.shape_cast %get3A_12 : vector<1x400x128xf32> to vector<400x128xf32>
    %get3A_14 = arith.constant 1 : index
    %get3A_15 = arith.constant 0 : index
    %get3A_16 = arith.constant 0 : index
    %get3A_17 = vector.load %arg2[%get3A_14, %get3A_15, %get3A_16] : memref<2x400x128xf32, #tpu.memory_space<vmem>>, vector<1x400x128xf32>
    %get3A_18 = vector.shape_cast %get3A_17 : vector<1x400x128xf32> to vector<400x128xf32>
    %add3A_19 = arith.addf %get3A_13, %get3A_18 : vector<400x128xf32>
    %concatenate3A = tpu.concatenate %add3A, %add3A_19 in 1 : vector<400x128xf32>, vector<400x128xf32> -> vector<400x256xf32>
    %convert_element_type3A = arith.truncf %concatenate3A : vector<400x256xf32> to vector<400x256xbf16>
    %get3A_20 = arith.constant 0 : index
    %get3A_21 = arith.constant 0 : index
    %get3A_22 = vector.load %arg3[%get3A_20, %get3A_21] : memref<256x256xf32, #tpu.memory_space<vmem>>, vector<256x256xf32>
    %convert_element_type3A_23 = arith.truncf %get3A_22 : vector<256x256xf32> to vector<256x256xbf16>
    %dot_general3A = arith.constant dense<0.000000e+00> : vector<400x256xf32>
    %dot_general3A_24 = tpu.matmul %convert_element_type3A, %convert_element_type3A_23, %dot_general3A {dimension_numbers = #tpu.dot_dimension_numbers<[1], [0], [0], [1], [0, 0, 1, 1], [], []>, transpose_lhs_hint = false} : vector<400x256xbf16>, vector<256x256xbf16>, vector<400x256xf32> -> vector<400x256xf32>
    %get3A_25 = arith.constant 0 : index
    %get3A_26 = arith.constant 0 : index
    %get3A_27 = vector.load %arg4[%get3A_25, %get3A_26] : memref<1x256xf32, #tpu.memory_space<vmem>>, vector<1x256xf32>
    %add3A_28 = vector.broadcast %get3A_27 : vector<1x256xf32> to vector<400x256xf32>
    %add3A_29 = arith.addf %dot_general3A_24, %add3A_28 : vector<400x256xf32>
    %max3A = arith.constant 0.000000e+00 : f32
    %max3A_30 = vector.broadcast %max3A : f32 to vector<400x256xf32>
    %max3A_31 = arith.maximumf %add3A_29, %max3A_30 : vector<400x256xf32>
    %convert_element_type3A_32 = arith.truncf %max3A_31 : vector<400x256xf32> to vector<400x256xbf16>
    %get3A_33 = arith.constant 0 : index
    %get3A_34 = arith.constant 0 : index
    %get3A_35 = vector.load %arg5[%get3A_33, %get3A_34] : memref<256x256xf32, #tpu.memory_space<vmem>>, vector<256x256xf32>
    %convert_element_type3A_36 = arith.truncf %get3A_35 : vector<256x256xf32> to vector<256x256xbf16>
    %dot_general3A_37 = arith.constant dense<0.000000e+00> : vector<400x256xf32>
    %dot_general3A_38 = tpu.matmul %convert_element_type3A_32, %convert_element_type3A_36, %dot_general3A_37 {dimension_numbers = #tpu.dot_dimension_numbers<[1], [0], [0], [1], [0, 0, 1, 1], [], []>, transpose_lhs_hint = false} : vector<400x256xbf16>, vector<256x256xbf16>, vector<400x256xf32> -> vector<400x256xf32>
    %get3A_39 = arith.constant 0 : index
    %get3A_40 = arith.constant 0 : index
    %get3A_41 = vector.load %arg6[%get3A_39, %get3A_40] : memref<1x256xf32, #tpu.memory_space<vmem>>, vector<1x256xf32>
    %add3A_42 = vector.broadcast %get3A_41 : vector<1x256xf32> to vector<400x256xf32>
    %add3A_43 = arith.addf %dot_general3A_38, %add3A_42 : vector<400x256xf32>
    %swap3A = arith.constant 0 : index
    %swap3A_44 = arith.constant 0 : index
    %swap3A_45 = vector.load %arg7[%swap3A, %swap3A_44] : memref<400x256xf32, #tpu.memory_space<vmem>>, vector<400x256xf32>
    tpu.vector_store %arg7[%swap3A, %swap3A_44], %add3A_43 {strides = array<i32>} : memref<400x256xf32, #tpu.memory_space<vmem>>, vector<400x256xf32>,
    return
  }
  func.func @transform_0(%arg0: i32) -> (i32, i32, i32) {
    %c0_i32 = arith.constant 0 : i32
    %c0_i32_0 = arith.constant 0 : i32
    %c0_i32_1 = arith.constant 0 : i32
    return %c0_i32, %arg0, %c0_i32_0 : i32, i32, i32
  }
  func.func @transform_1(%arg0: i32) -> (i32, i32, i32) {
    %c0_i32 = arith.constant 0 : i32
    %c0_i32_0 = arith.constant 0 : i32
    %c0_i32_1 = arith.constant 0 : i32
    return %c0_i32, %arg0, %c0_i32_0 : i32, i32, i32
  }
  func.func @transform_2(%arg0: i32) -> (i32, i32) {
    %c0_i32 = arith.constant 0 : i32
    %c0_i32_0 = arith.constant 0 : i32
    %c0_i32_1 = arith.constant 0 : i32
    return %c0_i32, %c0_i32_0 : i32, i32
  }
  func.func @transform_3(%arg0: i32) -> (i32, i32) {
    %c0_i32 = arith.constant 0 : i32
    %c0_i32_0 = arith.constant 0 : i32
    %c0_i32_1 = arith.constant 0 : i32
    return %c0_i32, %c0_i32_0 : i32, i32
  }
  func.func @transform_4(%arg0: i32) -> (i32, i32) {
    %c0_i32 = arith.constant 0 : i32
    %c0_i32_0 = arith.constant 0 : i32
    %c0_i32_1 = arith.constant 0 : i32
    return %c0_i32, %c0_i32_0 : i32, i32
  }
  func.func @transform_5(%arg0: i32) -> (i32, i32) {
    %c0_i32 = arith.constant 0 : i32
    %c0_i32_0 = arith.constant 0 : i32
    %c0_i32_1 = arith.constant 0 : i32
    return %c0_i32, %c0_i32_0 : i32, i32
  }
  func.func @transform_6(%arg0: i32) -> (i32, i32) {
    %c0_i32 = arith.constant 0 : i32
    %c0_i32_0 = arith.constant 0 : i32
    return %arg0, %c0_i32 : i32, i32
  }
}

</mosaic_0001>

<sc_bundles>
// kernel: kernel.6.cloned.1.call-start
scs
__scs_entry_jumppad:
0x0: {  	(pc) =	sbr.rel $0x88, $3  }
0x1: {  	(tag) =	ssettag $0x0;
	lr =	simm.s32 $0x1  }
0x2: {  	[smem:$0x3F97] =	sst lr;
	_ =	strace $0xD0000000  }
0x3: {  	_ = 	snop  }
0x4: {  	_ = 	snop  }
0x5: {  	_ = 	snop  }
0x6: {  	_ = 	snop  }
0x7: {  	_ = 	snop  }
__scs_overlays_trampoline_lowered:
0x8: {  	[smem:$0x3FA6] =	sst s0  }
0x9: {  	[smem:$0x3FA7] =	sst s1  }
0xa: {  	[smem:$0x3FA8] =	sst s2  }
0xb: {  	[smem:$0x3FA9] =	sst s3  }
0xc: {  	[smem:$0x3FAA] =	sst s4  }
0xd: {  	[smem:$0x3FAB] =	sst s5  }
0xe: {  	[smem:$0x3FAC] =	sst s6  }
0xf: {  	[smem:$0x3FAD] =	sst s7  }
0x10: {  	[smem:$0x3FAE] =	sst s8  }
0x11: {  	[smem:$0x3FAF] =	sst s9;
	s0 =	simm.s32 @!p0 $0x0  }
0x12: {  	s1 =	sld [smem:$0x3F95];
	s0 =	simm.s32 @p0 $0x1  }
0x13: {  	[smem:$0x3FB0] =	sst s0;
	s0 =	simm.s32 @!p1 $0x0  }
0x14: {  	s2 =	sld [smem:$0x3F94];
	s0 =	simm.s32 @p1 $0x1  }
0x15: {  	[smem:$0x3FB1] =	sst s0;
	s0 =	simm.s32 @!p2 $0x0  }
0x16: {  	s3 =	sld [smem:$0x3FDB];
	s0 =	simm.s32 @p2 $0x1  }
0x17: {  	s4 =	simm.s32 $0x1BF5;
	[smem:$0x3FB3] =	sst s0  }
0x18: {  	s0 =	sld [smem:$0x3F96];
	_ =	swait.ge [sflag:s4], $0x0  }
0x19: {  	s7 =	sld [smem:$0x3F97]  }
0x1a: {  	s8 =	sadd.s32 $0xFFFFE003, lr  }
0x1b: {  	s9 =	sadd.s32 $0xFFFFFEF7, lr;
	s5 =	simm.s32 $0xFFFFFFFF;
	p2 =	slt.u32 s8, $0xFFFFF086  }
0x1c: {  	p1 =	slt.u32 s9, $0xF7A;
	s5 =	simm.s32 @!p2 $0x0  }
0x1d: {  	s5 =	simm.s32 @p1 $0x1;
	p0 =	seq.s32 s7, s2  }
0x1e: {  	s7 =	smul.u32 @!p0 $0xF7A, s2;
	p2 =	seq.s32 @!p0 s5, $0x0  }
0x1f: {  	s9 =	smul.u32 $0xF7A, s1;
	s8 =	simm.s32 @!p0 $0x1BF5;
	p2 =	por !p2, p0  }
0x20: {  	[sflag:s8] =	ssyncset.s32 @!p0 $0xFFFFF086;
	s6 =	sadd.s32 @!p0 s3, s7;
	s7 =	simm.s32 @!p0 $0x108  }
0x21: {  	s3 =	sadd.s32 s3, s9;
	s6 =	sadd.s32 @!p0 $0x88, s6;
	s7 =	simm.s32 @p2 $0x1082  }
0x22: {  	[simem:s7], [sflag:s8] =	dma.local @!p0 [hbm:s6], $0xF7A  }
0x23: {  	s9 =	sor.u32 $0xD0000000, s2;
	s6 =	simm.s32 $0x108;
	_ =	swait.ge @!p0 [sflag:s8], $0x0  }
0x24: {  	s3 =	sadd.s32 $0x88, s3;
	s6 =	simm.s32 @!p1 $0x1082;
	[sflag:s4] =	ssyncset.s32 $0xFFFFF086  }
0x25: {  	[simem:s6], [sflag:s4] =	dma.local [hbm:s3], $0xF7A  }
0x26: {  	[smem:$0x3F97] =	sst s1;
	(tag) =	ssettag s2;
	_ =	strace s9  }
0x27: {  	s1 =	sld [smem:$0x3FA7]  }
0x28: {  	s2 =	sld [smem:$0x3FA8]  }
0x29: {  	s4 =	sld [smem:$0x3FAA]  }
0x2a: {  	p0 =	seq.s32 s5, $0x0;
	s5 =	sld [smem:$0x3FAB]  }
0x2b: {  	s6 =	sld [smem:$0x3FAC]  }
0x2c: {  	s7 =	sld [smem:$0x3FAD]  }
0x2d: {  	s3 =	simm.s32 $0x108;
	s8 =	sld [smem:$0x3FAE]  }
0x2e: {  	s3 =	simm.s32 @!p0 $0x1082;
	s9 =	sld [smem:$0x3FAF]  }
0x2f: {  	lr =	sadd.s32 s0, s3;
	s0 =	sld [smem:$0x3FA6]  }
0x30: {  	s3 =	sld [smem:$0x3FA9]  }
0x31: {  	[smem:$0x3FB2] =	sst s10  }
0x32: {  	s10 =	sld [smem:$0x3FB0];
	_ =	sdelay $0x3  }
0x33: {  	p0 =	seq.s32 s10, $0x1;
	s10 =	sld [smem:$0x3FB2];
	_ =	sdelay $0x3  }
0x34: {  	[smem:$0x3FB2] =	sst s10  }
0x35: {  	s10 =	sld [smem:$0x3FB1];
	_ =	sdelay $0x3  }
0x36: {  	p1 =	seq.s32 s10, $0x1;
	s10 =	sld [smem:$0x3FB2];
	_ =	sdelay $0x3  }
0x37: {  	[smem:$0x3FB2] =	sst s10  }
0x38: {  	s10 =	sld [smem:$0x3FB3]  }
0x39: {  	_ = 	snop;
	(pc) =	sbr.ind lr, $3  }
0x3a: {  	_ = 	snop  }
0x3b: {  	_ = 	snop  }
0x3c: {  	p2 =	seq.s32 s10, $0x1;
	s10 =	sld [smem:$0x3FB2]  }
0x3d: {  	_ =	shalt  }
0x3e: {  	_ =	shalt  }
0x3f: {  	_ =	shalt  }
0x40: {  	_ =	shalt  }
0x41: {  	_ =	shalt  }
0x42: {  	_ =	shalt  }
0x43: {  	_ =	shalt  }
0x44: {  	_ =	shalt  }
0x45: {  	_ =	shalt  }
0x46: {  	_ =	shalt  }
0x47: {  	_ =	shalt  }
0x48: {  	_ =	shalt  }
0x49: {  	_ =	shalt  }
0x4a: {  	_ =	shalt  }
0x4b: {  	_ =	shalt  }
0x4c: {  	_ =	shalt  }
0x4d: {  	_ =	shalt  }
0x4e: {  	_ =	shalt  }
0x4f: {  	_ =	shalt  }
0x50: {  	_ =	shalt  }
0x51: {  	_ =	shalt  }
0x52: {  	_ =	shalt  }
0x53: {  	_ =	shalt  }
0x54: {  	_ =	shalt  }
0x55: {  	_ =	shalt  }
0x56: {  	_ =	shalt  }
0x57: {  	_ =	shalt  }
0x58: {  	_ =	shalt  }
0x59: {  	_ =	shalt  }
0x5a: {  	_ =	shalt  }
0x5b: {  	_ =	shalt  }
0x5c: {  	_ =	shalt  }
0x5d: {  	_ =	shalt  }
0x5e: {  	_ =	shalt  }
0x5f: {  	_ =	shalt  }
0x60: {  	_ =	shalt  }
0x61: {  	_ =	shalt  }
0x62: {  	_ =	shalt  }
0x63: {  	_ =	shalt  }
0x64: {  	_ =	shalt  }
0x65: {  	_ =	shalt  }
0x66: {  	_ =	shalt  }
0x67: {  	_ =	shalt  }
0x68: {  	_ =	shalt  }
0x69: {  	_ =	shalt  }
0x6a: {  	_ =	shalt  }
0x6b: {  	_ =	shalt  }
0x6c: {  	_ =	shalt  }
0x6d: {  	_ =	shalt  }
0x6e: {  	_ =	shalt  }
0x6f: {  	_ =	shalt  }
0x70: {  	_ =	shalt  }
0x71: {  	_ =	shalt  }
0x72: {  	_ =	shalt  }
0x73: {  	_ =	shalt  }
0x74: {  	_ =	shalt  }
0x75: {  	_ =	shalt  }
0x76: {  	_ =	shalt  }
0x77: {  	_ =	shalt  }
0x78: {  	_ =	shalt  }
0x79: {  	_ =	shalt  }
0x7a: {  	_ =	shalt  }
0x7b: {  	_ =	shalt  }
0x7c: {  	_ =	shalt  }
0x7d: {  	_ =	shalt  }
0x7e: {  	_ =	shalt  }
0x7f: {  	_ =	shalt  }
0x80: {  	_ =	shalt  }
0x81: {  	_ =	shalt  }
0x82: {  	_ =	shalt  }
0x83: {  	_ =	shalt  }
0x84: {  	_ =	shalt  }
0x85: {  	_ =	shalt  }
0x86: {  	_ =	shalt  }
0x87: {  	_ =	shalt  }
.Lfunc_end0:
.L_simem_size_0:
called_computation_lowered:
.L_overlay_start_0:
0x88: {  	s2 =	sld [smem:$0x3FD9]  }
0x89: {  	s3 =	sld [smem:$0x3FFE];
	_ =	sdelay $0x1  }
0x8a: {  	s1 =	srdreg.scid  }
0x8b: {  	s0 =	sand.u32 $0x1, s1  }
0x8c: {  	s17 =	sshll.u32 s0, $0xA;
	s2 =	sadd.s32 s3, s2  }
0x8d: {  	s2 =	sadd.s32 s2, s17  }
0x8e: {  	[smem:$0x3FBE] =	sst s2  }
0x8f: {  	_ = 	snop  }
0x90: {  	s2 =	sld [smem:$0x3FD0];
	(tm) =	ssettm $0x1  }
0x91: {  	s18 =	sld [smem:$0x3FFB];
	_ =	sdelay $0x3  }
0x92: {  	_ =	strace s18  }
0x93: {  	s3 =	sld [smem:$0x3FFC];
	_ =	sdelay $0x3  }
0x94: {  	_ =	strace s3  }
0x95: {  	s3 =	sld [smem:$0x3FFD];
	_ =	sdelay $0x3  }
0x96: {  	_ =	strace s3  }
0x97: {  	_ =	strace $0x8FFFFFFF  }
0x98: {  	s19 =	sld [smem:$0x3FDB];
	_ =	sdelay $0x1  }
0x99: {  	s4 =	simm.s32 $_scs_section_size  }
0x9a: {  	s5 =	simm.s32 $_size__tile_overlayer_lowered;
	s6 =	simm.s32 $_tile_overlayer_lowered  }
0x9b: {  	s22 =	simm.s32 $0x1BFF;
	s21 =	sshll.u32 s6, $0x1;
	s3 =	sadd.s32 s4, s19  }
0x9c: {  	s7 =	simm.s32 $0x0;
	s20 =	sshll.u32 s5, $0x1;
	s5 =	sadd.s32 s21, s3  }
0x9d: {  	[timem:s7], [sflag:s22] =	dma.local [hbm:s5], s20  }
0x9e: {  	_ =	swait.ge [sflag:s22], s20  }
0x9f: {  	s4 =	ssub.s32 $0x0, s20;
	[sflag:s22] =	ssyncset.done $0x0  }
0xa0: {  	[sflag:s22] =	ssyncadd.s32 s4;
	_ =	sdelay $0x1  }
0xa1: {  	s23 =	simm.s32 $0x1B8B  }
0xa2: {  	_ =	swait.ge [sflag:s23], $0x1  }
0xa3: {  	[sflag:s23] =	ssyncset.done $0x0  }
0xa4: {  	s25 =	simm.s32 $0x1B8E;
	s24 =	sld [smem:$0x3FFE];
	[sflag:s23] =	ssyncadd.s32 $0xFFFFFFFF  }
0xa5: {  	s26 =	simm.s32 $execute0_lowered;
	[smem:$0x3FD2] =	sst s25  }
0xa6: {  	s5 =	sshll.u32 s26, $0x1;
	_ =	strace $0x80000046;
	[dreg:$0x1] =	wrdreg $0xFFFFFFFF  }
0xa7: {  	s28 =	simm.s32 $_size_execute0_lowered;
	s3 =	sadd.s32 s3, s5;
	[dreg:$0x0] =	wrdreg $0x0  }
0xa8: {  	s5 =	sshll.u32 s28, $0x1;
	[dreg:$0x2] =	wrdreg s3  }
0xa9: {  	[dreg:$0x3] =	wrdreg s5  }
0xaa: {  	[dreg:$0x4] =	wrdreg $0xC0  }
0xab: {  	_ =	task [dreg:s7], $0x5FFFF  }
0xac: {  	[dreg:$0x1] =	wrdreg $0xFFFFFFFF  }
0xad: {  	[dreg:$0x0] =	wrdreg $0x60  }
0xae: {  	[dreg:$0x2] =	wrdreg s2  }
0xaf: {  	[dreg:$0x3] =	wrdreg s24  }
0xb0: {  	[dreg:$0x4] =	wrdreg $0xA8000  }
0xb1: {  	[dreg:$0x5] =	wrdreg $0x9  }
0xb2: {  	_ =	task.clear_ibuf [dreg:s7], $0x6FFFF;
	_ =	strace $0x90000046  }
0xb3: {  	s29 =	simm.s32 $0x9;
	_ =	strace $0x80000048  }
0xb4: {  	_ =	swait.ge [sflag:s29], $0x1  }
0xb5: {  	[sflag:s29] =	ssyncadd.s32 $0xFFFFFFFF  }
0xb6: {  	_ =	strace $0x90000048  }
0xb7: {  	_ =	sfence  }
0xb8: {  	s30 =	sld [smem:$0x0];
	_ =	sdelay $0x2  }
0xb9: {  	s31 =	sshll.u32 s1, $0xD;
	s1 =	sshrl.u32 s1, $0x2  }
0xba: {  	s3 =	sand.u32 $0x4000, s31;
	s1 =	sadd.s32 s1, s30  }
0xbb: {  	s0 =	sor.u32 s3, s0;
	s1 =	sshll.u32 s1, $0x11  }
0xbc: {  	s0 =	sor.u32 s1, s0  }
0xbd: {  	s0 =	sadd.s32 $0x8F2B, s0  }
0xbe: {  	[sflag:s0] =	ssyncadd.remote.s32 $0x1  }
0xbf: {  	_ =	sfence.sel $0xFFFF  }
0xc0: {  	[dreg:$0x0] =	wrdreg $0xFFFFFFFF;
	(pc) =	sbr.abs _section_cstart, $3  }
0xc1: {  	[dreg:$0x1] =	wrdreg $0xFFFFFFFF  }
0xc2: {  	_ =	task.clear_ibuf [dreg:s7], $0x2FFFF;
	_ =	strace $0x9FFFFFFF  }
0xc3: {  	(tm) =	ssettm $0x7FFFFFFF  }
tec
execute0_lowered:
.L_overlay_start_1:
0x0: {  	(tag) =	ssettag $0x1  }
0x1: {  	s1 =	rddreg [dreg:$0x0]  }
0x2: {  	s6 =	rddreg [dreg:$0x1]  }
0x3: {  	s2 =	rddreg [dreg:$0x2];
	s4 =	simm.s32 $0x0;
	s3 =	srdreg.scid  }
0x4: {  	s17 =	simm.s32 $0x2800;
	s18 =	simm.s32 $0x6800;
	s7 =	sand.u32 $0x1, s3  }
0x5: {  	s28 =	simm.s32 $0x2780;
	s3 =	stileid.u32;
	s8 =	smul.u32 $0x140000, s7  }
0x6: {  	s29 =	simm.s32 $0x0;
	[smem:$0x7FF] =	sst s4;
	s9 =	smul.u32 $0x14000, s3  }
0x7: {  	s10 =	sadd.s32 $0x8000, s6;
	s11 =	sadd.s32 $0x3000, s6;
	s12 =	smul.u32 $0x50000, s3  }
0x8: {  	s5 =	sadd.s32 $0x12000, s6;
	_ =	strace $0x80000047;
	s19 =	smul.u32 $0x28000, s7  }
0x9: {  	s7 =	ssub.s32 $0x2, s7;
	s13 =	smul.u32 $0x2800, s3;
	s24 =	sshll.u32 s3, $0x6  }
0xa: {  	s20 =	sshrl.u32 s7, $0x1;
	s8 =	sadd.s32 s9, s8;
	s21 =	sshrl.u32 s12, $0x2  }
0xb: {  	s22 =	ssub.s32 s7, s20;
	s23 =	sadd.s32 s13, s19;
	s16 =	sadd.s32 $0x1400, s13  }
0xc: {  	s30 =	sshrl.u32 s13, $0x3;
	s20 =	simm.s32 $0x3;
	s8 =	sshrl.u32 s8, $0x3  }
0xd: {  	s15 =	sadd.s32 s21, s2;
	s25 =	sshrl.u32 s23, $0x3;
	s26 =	sadd.s32 s19, s16  }
0xe: {  	s16 =	sshrl.u32 s16, $0x3;
	s12 =	smax.u32 s22, $0x1;
	s19 =	simm.s32 $0x1  }
0xf: {  	s21 =	simm.s32 $0x100;
	s22 =	simm.s32 $0x2;
	s23 =	simm.s32 $0x1480  }
0x10: {  	s14 =	sadd.s32 s8, s6;
	s6 =	sor.u32 $0x1C05, s24;
	s7 =	sadd.s32 s10, s25  }
0x11: {  	s31 =	sshrl.u32 s26, $0x3;
	s8 =	sadd.s32 s11, s30;
	s13 =	sshrl.u32 s15, $0x3  }
0x12: {  	s15 =	simm.s32 $0x1400;
	s24 =	simm.s32 $0x4;
	s25 =	simm.s32 $0x1380  }
0x13: {  	s26 =	simm.s32 $0x2700;
	s9 =	sadd.s32 s10, s31;
	s10 =	sadd.s32 s11, s16  }
0x14: {  	s11 =	sadd.s32 $0x14800, s14;
	s14 =	simm.s32 $0x5;
	s16 =	simm.s32 $0x80  }
.LBB2_1:
0x15: {  	[spmem:s13], [sflag:s6] =	dma.local [hbm:s5], $0x2800  }
0x16: {  	_ =	swait.ge [sflag:s14], $0x2800  }
0x17: {  	[sflag:s14] =	ssyncset.done $0x0  }
0x18: {  	[sflag:s14] =	ssyncadd.s32 $0xFFFFD800  }
0x19: {  	[bflag:$0x0] =	sbarrier.arrive $0xFFFF  }
0x1a: {  	[tilespmem:s4], [sflag:$0x5] =	stream.linear.gather [hbm4b:s7+s4], $0x1400, $0x38;
	[tilespmem:$0x1E800] =	vst v63  }
0x1b: {  	_ =	swait.ge [sflag:s14], $0x1400  }
0x1c: {  	[sflag:s14] =	ssyncset.done $0x0  }
0x1d: {  	[sflag:s14] =	ssyncadd.s32 $0xFFFFEC00  }
0x1e: {  	[tilespmem:s15], [sflag:$0x5] =	stream.linear.gather [hbm4b:s8+s4], $0x1400, $0x38;
	[tilespmem:$0x1E800] =	vst v63  }
0x1f: {  	_ =	swait.ge [sflag:s14], $0x1400  }
0x20: {  	[sflag:s14] =	ssyncset.done $0x0  }
0x21: {  	[sflag:s14] =	ssyncadd.s32 $0xFFFFEC00  }
0x22: {  	[tilespmem:s17], [sflag:$0x1] =	stream.indirect.gather [hbm4b:s1+s16], $0x80, s4, s16, $0xb8;
	[tilespmem:$0x1E800] =	vst v63  }
0x23: {  	_ = 	snop  }
0x24: {  	[tilespmem:s18], [sflag:$0x2] =	stream.indirect.gather [hbm4b:s1+s16], $0x80, s16, s16, $0xb8;
	[tilespmem:$0x1E800] =	vst v63  }
0x25: {  	_ =	swait.ge [sflag:s19], $0x4000  }
0x26: {  	[sflag:s19] =	ssyncset.done $0x0  }
0x27: {  	[sflag:s19] =	ssyncadd.s32 $0xFFFFC000  }
0x28: {  	[spmem:s2] =	stream.indirect.scatter.add.f32 [tilespmem:s17], [sflag:$0x3], $0x80, s15, s16, $0xb8;
	[tilespmem:$0x1E800] =	vst v63  }
0x29: {  	_ =	swait.ge [sflag:s20], $0x4000  }
0x2a: {  	[sflag:s20] =	ssyncset.done $0x0  }
0x2b: {  	[sflag:s20] =	ssyncadd.s32 $0xFFFFC000  }
0x2c: {  	[tilespmem:s17], [sflag:$0x1] =	stream.indirect.gather [hbm4b:s1+s16], $0x80, s21, s16, $0xb8;
	[tilespmem:$0x1E800] =	vst v63  }
0x2d: {  	_ =	swait.ge [sflag:s22], $0x4000  }
0x2e: {  	[sflag:s22] =	ssyncset.done $0x0  }
0x2f: {  	[sflag:s22] =	ssyncadd.s32 $0xFFFFC000  }
0x30: {  	[spmem:s2] =	stream.indirect.scatter.add.f32 [tilespmem:s18], [sflag:$0x4], $0x80, s23, s16, $0xb8;
	[tilespmem:$0x1E800] =	vst v63  }
0x31: {  	_ =	swait.ge [sflag:s24], $0x4000  }
0x32: {  	[sflag:s24] =	ssyncset.done $0x0  }
0x33: {  	s30 =	simm.s32 $0x180;
	[sflag:s24] =	ssyncadd.s32 $0xFFFFC000  }
0x34: {  	[tilespmem:s18], [sflag:$0x2] =	stream.indirect.gather [hbm4b:s1+s16], $0x80, s30, s16, $0xb8;
	[tilespmem:$0x1E800] =	vst v63  }
0x35: {  	_ =	swait.ge [sflag:s19], $0x4000  }
0x36: {  	[sflag:s19] =	ssyncset.done $0x0  }
0x37: {  	s30 =	simm.s32 $0x1500;
	[sflag:s19] =	ssyncadd.s32 $0xFFFFC000  }
0x38: {  	[spmem:s2] =	stream.indirect.scatter.add.f32 [tilespmem:s17], [sflag:$0x3], $0x80, s30, s16, $0xb8;
	[tilespmem:$0x1E800] =	vst v63  }
0x39: {  	_ =	swait.ge [sflag:s20], $0x4000  }
0x3a: {  	[sflag:s20] =	ssyncset.done $0x0  }
0x3b: {  	s30 =	simm.s32 $0x200;
	[sflag:s20] =	ssyncadd.s32 $0xFFFFC000  }
0x3c: {  	[tilespmem:s17], [sflag:$0x1] =	stream.indirect.gather [hbm4b:s1+s16], $0x80, s30, s16, $0xb8;
	[tilespmem:$0x1E800] =	vst v63  }
0x3d: {  	_ =	swait.ge [sflag:s22], $0x4000  }
0x3e: {  	[sflag:s22] =	ssyncset.done $0x0  }
0x3f: {  	s31 =	simm.s32 $0x1580;
	s30 =	simm.s32 $0xFFFFBC00;
	[sflag:s22] =	ssyncadd.s32 $0xFFFFC000  }
.LBB2_2:
0x40: {  	[spmem:s2] =	stream.indirect.scatter.add.f32 [tilespmem:s18], [sflag:$0x4], $0x80, s31, s16, $0xb8;
	[tilespmem:$0x1E800] =	vst v63  }
0x41: {  	s31 =	smov.u32 s30  }
0x42: {  	p0 =	sne.s32 s30, $0xFFFFFC00;
	s30 =	sadd.s32 $0x400, s30;
	_ =	swait.ge [sflag:s24], $0x4000  }
0x43: {  	s31 =	sshra.s32 s31, $0x2;
	[sflag:s24] =	ssyncset.done $0x0  }
0x44: {  	s0 =	sadd.s32 $0x1380, s31;
	[sflag:s24] =	ssyncadd.s32 $0xFFFFC000  }
0x45: {  	[tilespmem:s18], [sflag:$0x2] =	stream.indirect.gather [hbm4b:s1+s16], $0x80, s0, s16, $0xb8;
	[tilespmem:$0x1E800] =	vst v63  }
0x46: {  	_ =	swait.ge [sflag:s19], $0x4000  }
0x47: {  	[sflag:s19] =	ssyncset.done $0x0  }
0x48: {  	s0 =	sadd.s32 $0x2700, s31;
	[sflag:s19] =	ssyncadd.s32 $0xFFFFC000  }
0x49: {  	[spmem:s2] =	stream.indirect.scatter.add.f32 [tilespmem:s17], [sflag:$0x3], $0x80, s0, s16, $0xb8;
	[tilespmem:$0x1E800] =	vst v63  }
0x4a: {  	_ =	swait.ge [sflag:s20], $0x4000  }
0x4b: {  	[sflag:s20] =	ssyncset.done $0x0  }
.Ltmp0:
0x4c: {  	s0 =	sadd.s32 $0x1400, s31;
	[sflag:s20] =	ssyncadd.s32 $0xFFFFC000;
	(pc) =	sbr.rel @p0 .LBB2_2-.Ltmp0, $4  }
0x4d: {  	[tilespmem:s17], [sflag:$0x1] =	stream.indirect.gather [hbm4b:s1+s16], $0x80, s0, s16, $0xb8;
	[tilespmem:$0x1E800] =	vst v63  }
0x4e: {  	_ =	swait.ge [sflag:s22], $0x4000  }
0x4f: {  	[sflag:s22] =	ssyncset.done $0x0  }
0x50: {  	s31 =	sadd.s32 $0x2780, s31;
	[sflag:s22] =	ssyncadd.s32 $0xFFFFC000  }
0x51: {  	[spmem:s2] =	stream.indirect.scatter.add.f32 [tilespmem:s18], [sflag:$0x4], $0x80, s31, s16, $0xb8;
	[tilespmem:$0x1E800] =	vst v63  }
0x52: {  	_ =	swait.ge [sflag:s24], $0x4000  }
0x53: {  	[sflag:s24] =	ssyncset.done $0x0  }
0x54: {  	[sflag:s24] =	ssyncadd.s32 $0xFFFFC000  }
0x55: {  	[tilespmem:s18], [sflag:$0x2] =	stream.indirect.gather [hbm4b:s1+s16], $0x80, s25, s16, $0xb8;
	[tilespmem:$0x1E800] =	vst v63  }
0x56: {  	_ =	swait.ge [sflag:s19], $0x4000  }
0x57: {  	[sflag:s19] =	ssyncset.done $0x0  }
0x58: {  	[sflag:s19] =	ssyncadd.s32 $0xFFFFC000  }
0x59: {  	[spmem:s2] =	stream.indirect.scatter.add.f32 [tilespmem:s17], [sflag:$0x3], $0x80, s26, s16, $0xb8;
	[tilespmem:$0x1E800] =	vst v63  }
0x5a: {  	_ =	swait.ge [sflag:s20], $0x4000  }
0x5b: {  	[sflag:s20] =	ssyncset.done $0x0  }
0x5c: {  	[sflag:s20] =	ssyncadd.s32 $0xFFFFC000  }
0x5d: {  	_ =	swait.ge [sflag:s22], $0x4000  }
0x5e: {  	[sflag:s22] =	ssyncset.done $0x0  }
0x5f: {  	[sflag:s22] =	ssyncadd.s32 $0xFFFFC000  }
0x60: {  	[spmem:s2] =	stream.indirect.scatter.add.f32 [tilespmem:s18], [sflag:$0x4], $0x80, s28, s16, $0xb8;
	[tilespmem:$0x1E800] =	vst v63  }
0x61: {  	_ =	swait.ge [sflag:s24], $0x4000  }
0x62: {  	[sflag:s24] =	ssyncset.done $0x0  }
0x63: {  	[sflag:s24] =	ssyncadd.s32 $0xFFFFC000  }
0x64: {  	[tilespmem:s4], [sflag:$0x5] =	stream.linear.gather [hbm4b:s9+s4], $0x1400, $0x38;
	[tilespmem:$0x1E800] =	vst v63  }
0x65: {  	_ =	swait.ge [sflag:s14], $0x1400  }
0x66: {  	[sflag:s14] =	ssyncset.done $0x0  }
0x67: {  	[sflag:s14] =	ssyncadd.s32 $0xFFFFEC00  }
0x68: {  	[tilespmem:s15], [sflag:$0x5] =	stream.linear.gather [hbm4b:s10+s4], $0x1400, $0x38;
	[tilespmem:$0x1E800] =	vst v63  }
0x69: {  	_ =	swait.ge [sflag:s14], $0x1400  }
0x6a: {  	[sflag:s14] =	ssyncset.done $0x0  }
0x6b: {  	[sflag:s14] =	ssyncadd.s32 $0xFFFFEC00  }
0x6c: {  	[tilespmem:s17], [sflag:$0x1] =	stream.indirect.gather [hbm4b:s1+s16], $0x80, s4, s16, $0xb8;
	[tilespmem:$0x1E800] =	vst v63  }
0x6d: {  	_ = 	snop  }
0x6e: {  	[tilespmem:s18], [sflag:$0x2] =	stream.indirect.gather [hbm4b:s1+s16], $0x80, s16, s16, $0xb8;
	[tilespmem:$0x1E800] =	vst v63  }
0x6f: {  	_ =	swait.ge [sflag:s19], $0x4000  }
0x70: {  	[sflag:s19] =	ssyncset.done $0x0  }
0x71: {  	[sflag:s19] =	ssyncadd.s32 $0xFFFFC000  }
0x72: {  	[spmem:s2] =	stream.indirect.scatter.add.f32 [tilespmem:s17], [sflag:$0x3], $0x80, s15, s16, $0xb8;
	[tilespmem:$0x1E800] =	vst v63  }
0x73: {  	_ =	swait.ge [sflag:s20], $0x4000  }
0x74: {  	[sflag:s20] =	ssyncset.done $0x0  }
0x75: {  	[sflag:s20] =	ssyncadd.s32 $0xFFFFC000  }
0x76: {  	[tilespmem:s17], [sflag:$0x1] =	stream.indirect.gather [hbm4b:s1+s16], $0x80, s21, s16, $0xb8;
	[tilespmem:$0x1E800] =	vst v63  }
0x77: {  	_ =	swait.ge [sflag:s22], $0x4000  }
0x78: {  	[sflag:s22] =	ssyncset.done $0x0  }
0x79: {  	[sflag:s22] =	ssyncadd.s32 $0xFFFFC000  }
0x7a: {  	[spmem:s2] =	stream.indirect.scatter.add.f32 [tilespmem:s18], [sflag:$0x4], $0x80, s23, s16, $0xb8;
	[tilespmem:$0x1E800] =	vst v63  }
0x7b: {  	_ =	swait.ge [sflag:s24], $0x4000  }
0x7c: {  	[sflag:s24] =	ssyncset.done $0x0  }
0x7d: {  	s0 =	simm.s32 $0x180;
	[sflag:s24] =	ssyncadd.s32 $0xFFFFC000  }
0x7e: {  	[tilespmem:s18], [sflag:$0x2] =	stream.indirect.gather [hbm4b:s1+s16], $0x80, s0, s16, $0xb8;
	[tilespmem:$0x1E800] =	vst v63  }
0x7f: {  	_ =	swait.ge [sflag:s19], $0x4000  }
0x80: {  	[sflag:s19] =	ssyncset.done $0x0  }
0x81: {  	s0 =	simm.s32 $0x1500;
	[sflag:s19] =	ssyncadd.s32 $0xFFFFC000  }
0x82: {  	[spmem:s2] =	stream.indirect.scatter.add.f32 [tilespmem:s17], [sflag:$0x3], $0x80, s0, s16, $0xb8;
	[tilespmem:$0x1E800] =	vst v63  }
0x83: {  	_ =	swait.ge [sflag:s20], $0x4000  }
0x84: {  	[sflag:s20] =	ssyncset.done $0x0  }
0x85: {  	s0 =	simm.s32 $0x200;
	[sflag:s20] =	ssyncadd.s32 $0xFFFFC000  }
0x86: {  	[tilespmem:s17], [sflag:$0x1] =	stream.indirect.gather [hbm4b:s1+s16], $0x80, s0, s16, $0xb8;
	[tilespmem:$0x1E800] =	vst v63  }
0x87: {  	_ =	swait.ge [sflag:s22], $0x4000  }
0x88: {  	[sflag:s22] =	ssyncset.done $0x0  }
0x89: {  	s30 =	simm.s32 $0xFFFFBC00;
	s31 =	simm.s32 $0x1580;
	[sflag:s22] =	ssyncadd.s32 $0xFFFFC000  }
.LBB2_4:
0x8a: {  	[spmem:s2] =	stream.indirect.scatter.add.f32 [tilespmem:s18], [sflag:$0x4], $0x80, s31, s16, $0xb8;
	[tilespmem:$0x1E800] =	vst v63  }
0x8b: {  	s0 =	smov.u32 s30  }
0x8c: {  	p0 =	sne.s32 s30, $0xFFFFFC00;
	s30 =	sadd.s32 $0x400, s30;
	_ =	swait.ge [sflag:s24], $0x4000  }
0x8d: {  	s0 =	sshra.s32 s0, $0x2;
	[sflag:s24] =	ssyncset.done $0x0  }
0x8e: {  	s31 =	sadd.s32 $0x1380, s0;
	[sflag:s24] =	ssyncadd.s32 $0xFFFFC000  }
0x8f: {  	[tilespmem:s18], [sflag:$0x2] =	stream.indirect.gather [hbm4b:s1+s16], $0x80, s31, s16, $0xb8;
	[tilespmem:$0x1E800] =	vst v63  }
0x90: {  	_ =	swait.ge [sflag:s19], $0x4000  }
0x91: {  	[sflag:s19] =	ssyncset.done $0x0  }
0x92: {  	s31 =	sadd.s32 $0x2700, s0;
	[sflag:s19] =	ssyncadd.s32 $0xFFFFC000  }
0x93: {  	[spmem:s2] =	stream.indirect.scatter.add.f32 [tilespmem:s17], [sflag:$0x3], $0x80, s31, s16, $0xb8;
	[tilespmem:$0x1E800] =	vst v63  }
0x94: {  	_ =	swait.ge [sflag:s20], $0x4000  }
0x95: {  	[sflag:s20] =	ssyncset.done $0x0  }
.Ltmp1:
0x96: {  	s31 =	sadd.s32 $0x1400, s0;
	[sflag:s20] =	ssyncadd.s32 $0xFFFFC000;
	(pc) =	sbr.rel @p0 .LBB2_4-.Ltmp1, $4  }
0x97: {  	[tilespmem:s17], [sflag:$0x1] =	stream.indirect.gather [hbm4b:s1+s16], $0x80, s31, s16, $0xb8;
	[tilespmem:$0x1E800] =	vst v63  }
0x98: {  	_ =	swait.ge [sflag:s22], $0x4000  }
0x99: {  	[sflag:s22] =	ssyncset.done $0x0  }
0x9a: {  	s31 =	sadd.s32 $0x2780, s0;
	[sflag:s22] =	ssyncadd.s32 $0xFFFFC000  }
0x9b: {  	[spmem:s2] =	stream.indirect.scatter.add.f32 [tilespmem:s18], [sflag:$0x4], $0x80, s31, s16, $0xb8;
	[tilespmem:$0x1E800] =	vst v63  }
0x9c: {  	_ =	swait.ge [sflag:s24], $0x4000  }
0x9d: {  	[sflag:s24] =	ssyncset.done $0x0  }
0x9e: {  	[sflag:s24] =	ssyncadd.s32 $0xFFFFC000  }
0x9f: {  	[tilespmem:s18], [sflag:$0x2] =	stream.indirect.gather [hbm4b:s1+s16], $0x80, s25, s16, $0xb8;
	[tilespmem:$0x1E800] =	vst v63  }
0xa0: {  	_ =	swait.ge [sflag:s19], $0x4000  }
0xa1: {  	[sflag:s19] =	ssyncset.done $0x0  }
0xa2: {  	[sflag:s19] =	ssyncadd.s32 $0xFFFFC000  }
0xa3: {  	[spmem:s2] =	stream.indirect.scatter.add.f32 [tilespmem:s17], [sflag:$0x3], $0x80, s26, s16, $0xb8;
	[tilespmem:$0x1E800] =	vst v63  }
0xa4: {  	_ =	swait.ge [sflag:s20], $0x4000  }
0xa5: {  	[sflag:s20] =	ssyncset.done $0x0  }
0xa6: {  	[sflag:s20] =	ssyncadd.s32 $0xFFFFC000  }
0xa7: {  	_ =	swait.ge [sflag:s22], $0x4000  }
0xa8: {  	[sflag:s22] =	ssyncset.done $0x0  }
0xa9: {  	[sflag:s22] =	ssyncadd.s32 $0xFFFFC000  }
0xaa: {  	[spmem:s2] =	stream.indirect.scatter.add.f32 [tilespmem:s18], [sflag:$0x4], $0x80, s28, s16, $0xb8;
	[tilespmem:$0x1E800] =	vst v63  }
0xab: {  	_ =	swait.ge [sflag:s24], $0x4000  }
0xac: {  	s29 =	sadd.s32 $0x1, s29;
	[sflag:s24] =	ssyncset.done $0x0  }
0xad: {  	p0 =	sne.s32 s29, s12;
	[sflag:s24] =	ssyncadd.s32 $0xFFFFC000  }
.Ltmp2:
0xae: {  	[bflag:$0x0] =	sbarrier.arrive $0xFFFF;
	(pc) =	sbr.rel @p0 .LBB2_1-.Ltmp2, $4  }
0xaf: {  	[hbm:s11], [sflag:s6] =	dma.local [spmem:s13], $0x2800  }
0xb0: {  	_ =	swait.ge [sflag:s14], $0x2800  }
0xb1: {  	[sflag:s14] =	ssyncset.done $0x0  }
0xb2: {  	[sflag:s14] =	ssyncadd.s32 $0xFFFFD800  }
0xb3: {  	_ =	sfence.sel $0x180000  }
0xb4: {  	[bflag:$0x0] =	sbarrier.arrive $0xFFFF  }
0xb5: {  	_ =	strace $0x90000047  }
0xb6: {  	[bflag:$0x2] =	sbarrier.arrive $0xFFFF  }
0xb7: {  	p0 =	sne.s32 s3, $0x0;
	s0 =	rddreg [dreg:$0x3]  }
0xb8: {  	s0 =	sadd.s32 @!p0 $0x100000, s0  }
0xb9: {  	[sflag:s0] =	ssyncadd.tile.s32 @!p0 $0x1;
	_ =	shalt  }
.Lfunc_end2:
_tile_overlayer_lowered:
.L_overlay_start_2:
0xba: {  	(tag) =	ssettag $0x2  }
0xbb: {  	s0 =	rddreg [dreg:$0x0];
	s2 =	stileid.u32  }
0xbc: {  	s1 =	rddreg [dreg:$0x1];
	p0 =	sne.s32 s2, $0x0  }
0xbd: {  	s3 =	rddreg [dreg:$0x2];
	[bflag:$0x3] =	sbarrier.arrive $0xFFFF;
	s2 =	simm.s32 @!p0 $0x1C05  }
0xbe: {  	[timem:s3], [sflag:s2] =	dma.local @!p0 [hbm:s0], s1  }
0xbf: {  	s0 =	simm.s32 @!p0 $0x5  }
0xc0: {  	_ =	swait.ge @!p0 [sflag:s0], s1  }
0xc1: {  	s1 =	ssub.s32 @!p0 $0x0, s1;
	[sflag:s0] =	ssyncset.done @!p0 $0x0  }
0xc2: {  	[sflag:s0] =	ssyncadd.s32 @!p0 s1  }
0xc3: {  	[bflag:$0x3] =	sbarrier.arrive $0xFFFF  }
0xc4: {  	_ =	shalt  }

// kernel: kernel.9.cloned.1.call-start
scs
__scs_entry_jumppad:
0x0: {  	(pc) =	sbr.rel $0x88, $3  }
0x1: {  	(tag) =	ssettag $0x0;
	lr =	simm.s32 $0x1  }
0x2: {  	[smem:$0x3F97] =	sst lr;
	_ =	strace $0xD0000000  }
0x3: {  	_ = 	snop  }
0x4: {  	_ = 	snop  }
0x5: {  	_ = 	snop  }
0x6: {  	_ = 	snop  }
0x7: {  	_ = 	snop  }
__scs_overlays_trampoline_lowered:
0x8: {  	[smem:$0x3FA6] =	sst s0  }
0x9: {  	[smem:$0x3FA7] =	sst s1  }
0xa: {  	[smem:$0x3FA8] =	sst s2  }
0xb: {  	[smem:$0x3FA9] =	sst s3  }
0xc: {  	[smem:$0x3FAA] =	sst s4  }
0xd: {  	[smem:$0x3FAB] =	sst s5  }
0xe: {  	[smem:$0x3FAC] =	sst s6  }
0xf: {  	[smem:$0x3FAD] =	sst s7  }
0x10: {  	[smem:$0x3FAE] =	sst s8  }
0x11: {  	[smem:$0x3FAF] =	sst s9;
	s0 =	simm.s32 @!p0 $0x0  }
0x12: {  	s1 =	sld [smem:$0x3F95];
	s0 =	simm.s32 @p0 $0x1  }
0x13: {  	[smem:$0x3FB0] =	sst s0;
	s0 =	simm.s32 @!p1 $0x0  }
0x14: {  	s2 =	sld [smem:$0x3F94];
	s0 =	simm.s32 @p1 $0x1  }
0x15: {  	[smem:$0x3FB1] =	sst s0;
	s0 =	simm.s32 @!p2 $0x0  }
0x16: {  	s3 =	sld [smem:$0x3FDB];
	s0 =	simm.s32 @p2 $0x1  }
0x17: {  	s4 =	simm.s32 $0x1BF5;
	[smem:$0x3FB3] =	sst s0  }
0x18: {  	s0 =	sld [smem:$0x3F96];
	_ =	swait.ge [sflag:s4], $0x0  }
0x19: {  	s7 =	sld [smem:$0x3F97]  }
0x1a: {  	s8 =	sadd.s32 $0xFFFFE003, lr  }
0x1b: {  	s9 =	sadd.s32 $0xFFFFFEF7, lr;
	s5 =	simm.s32 $0xFFFFFFFF;
	p2 =	slt.u32 s8, $0xFFFFF086  }
0x1c: {  	p1 =	slt.u32 s9, $0xF7A;
	s5 =	simm.s32 @!p2 $0x0  }
0x1d: {  	s5 =	simm.s32 @p1 $0x1;
	p0 =	seq.s32 s7, s2  }
0x1e: {  	s7 =	smul.u32 @!p0 $0xF7A, s2;
	p2 =	seq.s32 @!p0 s5, $0x0  }
0x1f: {  	s9 =	smul.u32 $0xF7A, s1;
	s8 =	simm.s32 @!p0 $0x1BF5;
	p2 =	por !p2, p0  }
0x20: {  	[sflag:s8] =	ssyncset.s32 @!p0 $0xFFFFF086;
	s6 =	sadd.s32 @!p0 s3, s7;
	s7 =	simm.s32 @!p0 $0x108  }
0x21: {  	s3 =	sadd.s32 s3, s9;
	s6 =	sadd.s32 @!p0 $0x88, s6;
	s7 =	simm.s32 @p2 $0x1082  }
0x22: {  	[simem:s7], [sflag:s8] =	dma.local @!p0 [hbm:s6], $0xF7A  }
0x23: {  	s9 =	sor.u32 $0xD0000000, s2;
	s6 =	simm.s32 $0x108;
	_ =	swait.ge @!p0 [sflag:s8], $0x0  }
0x24: {  	s3 =	sadd.s32 $0x88, s3;
	s6 =	simm.s32 @!p1 $0x1082;
	[sflag:s4] =	ssyncset.s32 $0xFFFFF086  }
0x25: {  	[simem:s6], [sflag:s4] =	dma.local [hbm:s3], $0xF7A  }
0x26: {  	[smem:$0x3F97] =	sst s1;
	(tag) =	ssettag s2;
	_ =	strace s9  }
0x27: {  	s1 =	sld [smem:$0x3FA7]  }
0x28: {  	s2 =	sld [smem:$0x3FA8]  }
0x29: {  	s4 =	sld [smem:$0x3FAA]  }
0x2a: {  	p0 =	seq.s32 s5, $0x0;
	s5 =	sld [smem:$0x3FAB]  }
0x2b: {  	s6 =	sld [smem:$0x3FAC]  }
0x2c: {  	s7 =	sld [smem:$0x3FAD]  }
0x2d: {  	s3 =	simm.s32 $0x108;
	s8 =	sld [smem:$0x3FAE]  }
0x2e: {  	s3 =	simm.s32 @!p0 $0x1082;
	s9 =	sld [smem:$0x3FAF]  }
0x2f: {  	lr =	sadd.s32 s0, s3;
	s0 =	sld [smem:$0x3FA6]  }
0x30: {  	s3 =	sld [smem:$0x3FA9]  }
0x31: {  	[smem:$0x3FB2] =	sst s10  }
0x32: {  	s10 =	sld [smem:$0x3FB0];
	_ =	sdelay $0x3  }
0x33: {  	p0 =	seq.s32 s10, $0x1;
	s10 =	sld [smem:$0x3FB2];
	_ =	sdelay $0x3  }
0x34: {  	[smem:$0x3FB2] =	sst s10  }
0x35: {  	s10 =	sld [smem:$0x3FB1];
	_ =	sdelay $0x3  }
0x36: {  	p1 =	seq.s32 s10, $0x1;
	s10 =	sld [smem:$0x3FB2];
	_ =	sdelay $0x3  }
0x37: {  	[smem:$0x3FB2] =	sst s10  }
0x38: {  	s10 =	sld [smem:$0x3FB3]  }
0x39: {  	_ = 	snop;
	(pc) =	sbr.ind lr, $3  }
0x3a: {  	_ = 	snop  }
0x3b: {  	_ = 	snop  }
0x3c: {  	p2 =	seq.s32 s10, $0x1;
	s10 =	sld [smem:$0x3FB2]  }
0x3d: {  	_ =	shalt  }
0x3e: {  	_ =	shalt  }
0x3f: {  	_ =	shalt  }
0x40: {  	_ =	shalt  }
0x41: {  	_ =	shalt  }
0x42: {  	_ =	shalt  }
0x43: {  	_ =	shalt  }
0x44: {  	_ =	shalt  }
0x45: {  	_ =	shalt  }
0x46: {  	_ =	shalt  }
0x47: {  	_ =	shalt  }
0x48: {  	_ =	shalt  }
0x49: {  	_ =	shalt  }
0x4a: {  	_ =	shalt  }
0x4b: {  	_ =	shalt  }
0x4c: {  	_ =	shalt  }
0x4d: {  	_ =	shalt  }
0x4e: {  	_ =	shalt  }
0x4f: {  	_ =	shalt  }
0x50: {  	_ =	shalt  }
0x51: {  	_ =	shalt  }
0x52: {  	_ =	shalt  }
0x53: {  	_ =	shalt  }
0x54: {  	_ =	shalt  }
0x55: {  	_ =	shalt  }
0x56: {  	_ =	shalt  }
0x57: {  	_ =	shalt  }
0x58: {  	_ =	shalt  }
0x59: {  	_ =	shalt  }
0x5a: {  	_ =	shalt  }
0x5b: {  	_ =	shalt  }
0x5c: {  	_ =	shalt  }
0x5d: {  	_ =	shalt  }
0x5e: {  	_ =	shalt  }
0x5f: {  	_ =	shalt  }
0x60: {  	_ =	shalt  }
0x61: {  	_ =	shalt  }
0x62: {  	_ =	shalt  }
0x63: {  	_ =	shalt  }
0x64: {  	_ =	shalt  }
0x65: {  	_ =	shalt  }
0x66: {  	_ =	shalt  }
0x67: {  	_ =	shalt  }
0x68: {  	_ =	shalt  }
0x69: {  	_ =	shalt  }
0x6a: {  	_ =	shalt  }
0x6b: {  	_ =	shalt  }
0x6c: {  	_ =	shalt  }
0x6d: {  	_ =	shalt  }
0x6e: {  	_ =	shalt  }
0x6f: {  	_ =	shalt  }
0x70: {  	_ =	shalt  }
0x71: {  	_ =	shalt  }
0x72: {  	_ =	shalt  }
0x73: {  	_ =	shalt  }
0x74: {  	_ =	shalt  }
0x75: {  	_ =	shalt  }
0x76: {  	_ =	shalt  }
0x77: {  	_ =	shalt  }
0x78: {  	_ =	shalt  }
0x79: {  	_ =	shalt  }
0x7a: {  	_ =	shalt  }
0x7b: {  	_ =	shalt  }
0x7c: {  	_ =	shalt  }
0x7d: {  	_ =	shalt  }
0x7e: {  	_ =	shalt  }
0x7f: {  	_ =	shalt  }
0x80: {  	_ =	shalt  }
0x81: {  	_ =	shalt  }
0x82: {  	_ =	shalt  }
0x83: {  	_ =	shalt  }
0x84: {  	_ =	shalt  }
0x85: {  	_ =	shalt  }
0x86: {  	_ =	shalt  }
0x87: {  	_ =	shalt  }
.Lfunc_end0:
.L_simem_size_0:
called_computation.1_lowered:
.L_overlay_start_0:
0x88: {  	s2 =	sld [smem:$0x3FD9]  }
0x89: {  	s3 =	sld [smem:$0x3FFE];
	_ =	sdelay $0x1  }
0x8a: {  	s1 =	srdreg.scid  }
0x8b: {  	s0 =	sand.u32 $0x1, s1  }
0x8c: {  	s17 =	sshll.u32 s0, $0xA;
	s2 =	sadd.s32 s3, s2  }
0x8d: {  	s2 =	sadd.s32 s2, s17  }
0x8e: {  	[smem:$0x3FBE] =	sst s2  }
0x8f: {  	_ = 	snop  }
0x90: {  	s2 =	sld [smem:$0x3FD0];
	(tm) =	ssettm $0x1  }
0x91: {  	s18 =	sld [smem:$0x3FFB];
	_ =	sdelay $0x3  }
0x92: {  	_ =	strace s18  }
0x93: {  	s3 =	sld [smem:$0x3FFC];
	_ =	sdelay $0x3  }
0x94: {  	_ =	strace s3  }
0x95: {  	s3 =	sld [smem:$0x3FFD];
	_ =	sdelay $0x3  }
0x96: {  	_ =	strace s3  }
0x97: {  	_ =	strace $0x8FFFFFFF  }
0x98: {  	s19 =	sld [smem:$0x3FDB];
	_ =	sdelay $0x1  }
0x99: {  	s4 =	simm.s32 $_scs_section_size  }
0x9a: {  	s5 =	simm.s32 $_size__tile_overlayer_lowered;
	s6 =	simm.s32 $_tile_overlayer_lowered  }
0x9b: {  	s22 =	simm.s32 $0x1BFF;
	s21 =	sshll.u32 s6, $0x1;
	s3 =	sadd.s32 s4, s19  }
0x9c: {  	s7 =	simm.s32 $0x0;
	s20 =	sshll.u32 s5, $0x1;
	s5 =	sadd.s32 s21, s3  }
0x9d: {  	[timem:s7], [sflag:s22] =	dma.local [hbm:s5], s20  }
0x9e: {  	_ =	swait.ge [sflag:s22], s20  }
0x9f: {  	s4 =	ssub.s32 $0x0, s20;
	[sflag:s22] =	ssyncset.done $0x0  }
0xa0: {  	[sflag:s22] =	ssyncadd.s32 s4;
	_ =	sdelay $0x1  }
0xa1: {  	s23 =	simm.s32 $0x1B8B  }
0xa2: {  	_ =	swait.ge [sflag:s23], $0x1  }
0xa3: {  	[sflag:s23] =	ssyncset.done $0x0  }
0xa4: {  	s25 =	simm.s32 $0x1B8E;
	s24 =	sld [smem:$0x3FFE];
	[sflag:s23] =	ssyncadd.s32 $0xFFFFFFFF  }
0xa5: {  	s26 =	simm.s32 $execute0_lowered;
	[smem:$0x3FD2] =	sst s25  }
0xa6: {  	s5 =	sshll.u32 s26, $0x1;
	_ =	strace $0x80000049;
	[dreg:$0x1] =	wrdreg $0xFFFFFFFF  }
0xa7: {  	s28 =	simm.s32 $_size_execute0_lowered;
	s3 =	sadd.s32 s3, s5;
	[dreg:$0x0] =	wrdreg $0x0  }
0xa8: {  	s5 =	sshll.u32 s28, $0x1;
	[dreg:$0x2] =	wrdreg s3  }
0xa9: {  	[dreg:$0x3] =	wrdreg s5  }
0xaa: {  	[dreg:$0x4] =	wrdreg $0xC0  }
0xab: {  	_ =	task [dreg:s7], $0x5FFFF  }
0xac: {  	[dreg:$0x1] =	wrdreg $0xFFFFFFFF  }
0xad: {  	[dreg:$0x0] =	wrdreg $0x60  }
0xae: {  	[dreg:$0x2] =	wrdreg s2  }
0xaf: {  	[dreg:$0x3] =	wrdreg s24  }
0xb0: {  	[dreg:$0x4] =	wrdreg $0xA8000  }
0xb1: {  	[dreg:$0x5] =	wrdreg $0x9  }
0xb2: {  	_ =	task.clear_ibuf [dreg:s7], $0x6FFFF;
	_ =	strace $0x90000049  }
0xb3: {  	s29 =	simm.s32 $0x9;
	_ =	strace $0x8000004B  }
0xb4: {  	_ =	swait.ge [sflag:s29], $0x1  }
0xb5: {  	[sflag:s29] =	ssyncadd.s32 $0xFFFFFFFF  }
0xb6: {  	_ =	strace $0x9000004B  }
0xb7: {  	_ =	sfence  }
0xb8: {  	s30 =	sld [smem:$0x0];
	_ =	sdelay $0x2  }
0xb9: {  	s31 =	sshll.u32 s1, $0xD;
	s1 =	sshrl.u32 s1, $0x2  }
0xba: {  	s3 =	sand.u32 $0x4000, s31;
	s1 =	sadd.s32 s1, s30  }
0xbb: {  	s0 =	sor.u32 s3, s0;
	s1 =	sshll.u32 s1, $0x11  }
0xbc: {  	s0 =	sor.u32 s1, s0  }
0xbd: {  	s0 =	sadd.s32 $0x8F2B, s0  }
0xbe: {  	[sflag:s0] =	ssyncadd.remote.s32 $0x1  }
0xbf: {  	_ =	sfence.sel $0xFFFF  }
0xc0: {  	[dreg:$0x0] =	wrdreg $0xFFFFFFFF;
	(pc) =	sbr.abs _section_cstart, $3  }
0xc1: {  	[dreg:$0x1] =	wrdreg $0xFFFFFFFF  }
0xc2: {  	_ =	task.clear_ibuf [dreg:s7], $0x2FFFF;
	_ =	strace $0x9FFFFFFF  }
0xc3: {  	(tm) =	ssettm $0x7FFFFFFF  }
tec
execute0_lowered:
.L_overlay_start_1:
0x0: {  	(tag) =	ssettag $0x1  }
0x1: {  	s1 =	rddreg [dreg:$0x0]  }
0x2: {  	s6 =	rddreg [dreg:$0x1]  }
0x3: {  	s2 =	rddreg [dreg:$0x2];
	s4 =	simm.s32 $0x0;
	s3 =	srdreg.scid  }
0x4: {  	s17 =	simm.s32 $0x2800;
	s18 =	simm.s32 $0x6800;
	s7 =	sand.u32 $0x1, s3  }
0x5: {  	s28 =	simm.s32 $0x2780;
	s3 =	stileid.u32;
	s8 =	smul.u32 $0x140000, s7  }
0x6: {  	s29 =	simm.s32 $0x0;
	[smem:$0x7FF] =	sst s4;
	s9 =	smul.u32 $0x14000, s3  }
0x7: {  	s10 =	sadd.s32 $0x8000, s6;
	s11 =	sadd.s32 $0x3000, s6;
	s12 =	smul.u32 $0x50000, s3  }
0x8: {  	s5 =	sadd.s32 $0x12000, s6;
	_ =	strace $0x8000004A;
	s19 =	smul.u32 $0x28000, s7  }
0x9: {  	s7 =	ssub.s32 $0x2, s7;
	s13 =	smul.u32 $0x2800, s3;
	s24 =	sshll.u32 s3, $0x6  }
0xa: {  	s20 =	sshrl.u32 s7, $0x1;
	s8 =	sadd.s32 s9, s8;
	s21 =	sshrl.u32 s12, $0x2  }
0xb: {  	s22 =	ssub.s32 s7, s20;
	s23 =	sadd.s32 s13, s19;
	s16 =	sadd.s32 $0x1400, s13  }
0xc: {  	s30 =	sshrl.u32 s13, $0x3;
	s20 =	simm.s32 $0x3;
	s8 =	sshrl.u32 s8, $0x3  }
0xd: {  	s15 =	sadd.s32 s21, s2;
	s25 =	sshrl.u32 s23, $0x3;
	s26 =	sadd.s32 s19, s16  }
0xe: {  	s16 =	sshrl.u32 s16, $0x3;
	s12 =	smax.u32 s22, $0x1;
	s19 =	simm.s32 $0x1  }
0xf: {  	s21 =	simm.s32 $0x100;
	s22 =	simm.s32 $0x2;
	s23 =	simm.s32 $0x1480  }
0x10: {  	s14 =	sadd.s32 s8, s6;
	s6 =	sor.u32 $0x1C05, s24;
	s7 =	sadd.s32 s10, s25  }
0x11: {  	s31 =	sshrl.u32 s26, $0x3;
	s8 =	sadd.s32 s11, s30;
	s13 =	sshrl.u32 s15, $0x3  }
0x12: {  	s15 =	simm.s32 $0x1400;
	s24 =	simm.s32 $0x4;
	s25 =	simm.s32 $0x1380  }
0x13: {  	s26 =	simm.s32 $0x2700;
	s9 =	sadd.s32 s10, s31;
	s10 =	sadd.s32 s11, s16  }
0x14: {  	s11 =	sadd.s32 $0x14800, s14;
	s14 =	simm.s32 $0x5;
	s16 =	simm.s32 $0x80  }
.LBB2_1:
0x15: {  	[spmem:s13], [sflag:s6] =	dma.local [hbm:s5], $0x2800  }
0x16: {  	_ =	swait.ge [sflag:s14], $0x2800  }
0x17: {  	[sflag:s14] =	ssyncset.done $0x0  }
0x18: {  	[sflag:s14] =	ssyncadd.s32 $0xFFFFD800  }
0x19: {  	[bflag:$0x0] =	sbarrier.arrive $0xFFFF  }
0x1a: {  	[tilespmem:s4], [sflag:$0x5] =	stream.linear.gather [hbm4b:s7+s4], $0x1400, $0x38;
	[tilespmem:$0x1E800] =	vst v63  }
0x1b: {  	_ =	swait.ge [sflag:s14], $0x1400  }
0x1c: {  	[sflag:s14] =	ssyncset.done $0x0  }
0x1d: {  	[sflag:s14] =	ssyncadd.s32 $0xFFFFEC00  }
0x1e: {  	[tilespmem:s15], [sflag:$0x5] =	stream.linear.gather [hbm4b:s8+s4], $0x1400, $0x38;
	[tilespmem:$0x1E800] =	vst v63  }
0x1f: {  	_ =	swait.ge [sflag:s14], $0x1400  }
0x20: {  	[sflag:s14] =	ssyncset.done $0x0  }
0x21: {  	[sflag:s14] =	ssyncadd.s32 $0xFFFFEC00  }
0x22: {  	[tilespmem:s17], [sflag:$0x1] =	stream.indirect.gather [hbm4b:s1+s16], $0x80, s4, s16, $0xb8;
	[tilespmem:$0x1E800] =	vst v63  }
0x23: {  	_ = 	snop  }
0x24: {  	[tilespmem:s18], [sflag:$0x2] =	stream.indirect.gather [hbm4b:s1+s16], $0x80, s16, s16, $0xb8;
	[tilespmem:$0x1E800] =	vst v63  }
0x25: {  	_ =	swait.ge [sflag:s19], $0x4000  }
0x26: {  	[sflag:s19] =	ssyncset.done $0x0  }
0x27: {  	[sflag:s19] =	ssyncadd.s32 $0xFFFFC000  }
0x28: {  	[spmem:s2] =	stream.indirect.scatter.add.f32 [tilespmem:s17], [sflag:$0x3], $0x80, s15, s16, $0xb8;
	[tilespmem:$0x1E800] =	vst v63  }
0x29: {  	_ =	swait.ge [sflag:s20], $0x4000  }
0x2a: {  	[sflag:s20] =	ssyncset.done $0x0  }
0x2b: {  	[sflag:s20] =	ssyncadd.s32 $0xFFFFC000  }
0x2c: {  	[tilespmem:s17], [sflag:$0x1] =	stream.indirect.gather [hbm4b:s1+s16], $0x80, s21, s16, $0xb8;
	[tilespmem:$0x1E800] =	vst v63  }
0x2d: {  	_ =	swait.ge [sflag:s22], $0x4000  }
0x2e: {  	[sflag:s22] =	ssyncset.done $0x0  }
0x2f: {  	[sflag:s22] =	ssyncadd.s32 $0xFFFFC000  }
0x30: {  	[spmem:s2] =	stream.indirect.scatter.add.f32 [tilespmem:s18], [sflag:$0x4], $0x80, s23, s16, $0xb8;
	[tilespmem:$0x1E800] =	vst v63  }
0x31: {  	_ =	swait.ge [sflag:s24], $0x4000  }
0x32: {  	[sflag:s24] =	ssyncset.done $0x0  }
0x33: {  	s30 =	simm.s32 $0x180;
	[sflag:s24] =	ssyncadd.s32 $0xFFFFC000  }
0x34: {  	[tilespmem:s18], [sflag:$0x2] =	stream.indirect.gather [hbm4b:s1+s16], $0x80, s30, s16, $0xb8;
	[tilespmem:$0x1E800] =	vst v63  }
0x35: {  	_ =	swait.ge [sflag:s19], $0x4000  }
0x36: {  	[sflag:s19] =	ssyncset.done $0x0  }
0x37: {  	s30 =	simm.s32 $0x1500;
	[sflag:s19] =	ssyncadd.s32 $0xFFFFC000  }
0x38: {  	[spmem:s2] =	stream.indirect.scatter.add.f32 [tilespmem:s17], [sflag:$0x3], $0x80, s30, s16, $0xb8;
	[tilespmem:$0x1E800] =	vst v63  }
0x39: {  	_ =	swait.ge [sflag:s20], $0x4000  }
0x3a: {  	[sflag:s20] =	ssyncset.done $0x0  }
0x3b: {  	s30 =	simm.s32 $0x200;
	[sflag:s20] =	ssyncadd.s32 $0xFFFFC000  }
0x3c: {  	[tilespmem:s17], [sflag:$0x1] =	stream.indirect.gather [hbm4b:s1+s16], $0x80, s30, s16, $0xb8;
	[tilespmem:$0x1E800] =	vst v63  }
0x3d: {  	_ =	swait.ge [sflag:s22], $0x4000  }
0x3e: {  	[sflag:s22] =	ssyncset.done $0x0  }
0x3f: {  	s31 =	simm.s32 $0x1580;
	s30 =	simm.s32 $0xFFFFBC00;
	[sflag:s22] =	ssyncadd.s32 $0xFFFFC000  }
.LBB2_2:
0x40: {  	[spmem:s2] =	stream.indirect.scatter.add.f32 [tilespmem:s18], [sflag:$0x4], $0x80, s31, s16, $0xb8;
	[tilespmem:$0x1E800] =	vst v63  }
0x41: {  	s31 =	smov.u32 s30  }
0x42: {  	p0 =	sne.s32 s30, $0xFFFFFC00;
	s30 =	sadd.s32 $0x400, s30;
	_ =	swait.ge [sflag:s24], $0x4000  }
0x43: {  	s31 =	sshra.s32 s31, $0x2;
	[sflag:s24] =	ssyncset.done $0x0  }
0x44: {  	s0 =	sadd.s32 $0x1380, s31;
	[sflag:s24] =	ssyncadd.s32 $0xFFFFC000  }
0x45: {  	[tilespmem:s18], [sflag:$0x2] =	stream.indirect.gather [hbm4b:s1+s16], $0x80, s0, s16, $0xb8;
	[tilespmem:$0x1E800] =	vst v63  }
0x46: {  	_ =	swait.ge [sflag:s19], $0x4000  }
0x47: {  	[sflag:s19] =	ssyncset.done $0x0  }
0x48: {  	s0 =	sadd.s32 $0x2700, s31;
	[sflag:s19] =	ssyncadd.s32 $0xFFFFC000  }
0x49: {  	[spmem:s2] =	stream.indirect.scatter.add.f32 [tilespmem:s17], [sflag:$0x3], $0x80, s0, s16, $0xb8;
	[tilespmem:$0x1E800] =	vst v63  }
0x4a: {  	_ =	swait.ge [sflag:s20], $0x4000  }
0x4b: {  	[sflag:s20] =	ssyncset.done $0x0  }
.Ltmp0:
0x4c: {  	s0 =	sadd.s32 $0x1400, s31;
	[sflag:s20] =	ssyncadd.s32 $0xFFFFC000;
	(pc) =	sbr.rel @p0 .LBB2_2-.Ltmp0, $4  }
0x4d: {  	[tilespmem:s17], [sflag:$0x1] =	stream.indirect.gather [hbm4b:s1+s16], $0x80, s0, s16, $0xb8;
	[tilespmem:$0x1E800] =	vst v63  }
0x4e: {  	_ =	swait.ge [sflag:s22], $0x4000  }
0x4f: {  	[sflag:s22] =	ssyncset.done $0x0  }
0x50: {  	s31 =	sadd.s32 $0x2780, s31;
	[sflag:s22] =	ssyncadd.s32 $0xFFFFC000  }
0x51: {  	[spmem:s2] =	stream.indirect.scatter.add.f32 [tilespmem:s18], [sflag:$0x4], $0x80, s31, s16, $0xb8;
	[tilespmem:$0x1E800] =	vst v63  }
0x52: {  	_ =	swait.ge [sflag:s24], $0x4000  }
0x53: {  	[sflag:s24] =	ssyncset.done $0x0  }
0x54: {  	[sflag:s24] =	ssyncadd.s32 $0xFFFFC000  }
0x55: {  	[tilespmem:s18], [sflag:$0x2] =	stream.indirect.gather [hbm4b:s1+s16], $0x80, s25, s16, $0xb8;
	[tilespmem:$0x1E800] =	vst v63  }
0x56: {  	_ =	swait.ge [sflag:s19], $0x4000  }
0x57: {  	[sflag:s19] =	ssyncset.done $0x0  }
0x58: {  	[sflag:s19] =	ssyncadd.s32 $0xFFFFC000  }
0x59: {  	[spmem:s2] =	stream.indirect.scatter.add.f32 [tilespmem:s17], [sflag:$0x3], $0x80, s26, s16, $0xb8;
	[tilespmem:$0x1E800] =	vst v63  }
0x5a: {  	_ =	swait.ge [sflag:s20], $0x4000  }
0x5b: {  	[sflag:s20] =	ssyncset.done $0x0  }
0x5c: {  	[sflag:s20] =	ssyncadd.s32 $0xFFFFC000  }
0x5d: {  	_ =	swait.ge [sflag:s22], $0x4000  }
0x5e: {  	[sflag:s22] =	ssyncset.done $0x0  }
0x5f: {  	[sflag:s22] =	ssyncadd.s32 $0xFFFFC000  }
0x60: {  	[spmem:s2] =	stream.indirect.scatter.add.f32 [tilespmem:s18], [sflag:$0x4], $0x80, s28, s16, $0xb8;
	[tilespmem:$0x1E800] =	vst v63  }
0x61: {  	_ =	swait.ge [sflag:s24], $0x4000  }
0x62: {  	[sflag:s24] =	ssyncset.done $0x0  }
0x63: {  	[sflag:s24] =	ssyncadd.s32 $0xFFFFC000  }
0x64: {  	[tilespmem:s4], [sflag:$0x5] =	stream.linear.gather [hbm4b:s9+s4], $0x1400, $0x38;
	[tilespmem:$0x1E800] =	vst v63  }
0x65: {  	_ =	swait.ge [sflag:s14], $0x1400  }
0x66: {  	[sflag:s14] =	ssyncset.done $0x0  }
0x67: {  	[sflag:s14] =	ssyncadd.s32 $0xFFFFEC00  }
0x68: {  	[tilespmem:s15], [sflag:$0x5] =	stream.linear.gather [hbm4b:s10+s4], $0x1400, $0x38;
	[tilespmem:$0x1E800] =	vst v63  }
0x69: {  	_ =	swait.ge [sflag:s14], $0x1400  }
0x6a: {  	[sflag:s14] =	ssyncset.done $0x0  }
0x6b: {  	[sflag:s14] =	ssyncadd.s32 $0xFFFFEC00  }
0x6c: {  	[tilespmem:s17], [sflag:$0x1] =	stream.indirect.gather [hbm4b:s1+s16], $0x80, s4, s16, $0xb8;
	[tilespmem:$0x1E800] =	vst v63  }
0x6d: {  	_ = 	snop  }
0x6e: {  	[tilespmem:s18], [sflag:$0x2] =	stream.indirect.gather [hbm4b:s1+s16], $0x80, s16, s16, $0xb8;
	[tilespmem:$0x1E800] =	vst v63  }
0x6f: {  	_ =	swait.ge [sflag:s19], $0x4000  }
0x70: {  	[sflag:s19] =	ssyncset.done $0x0  }
0x71: {  	[sflag:s19] =	ssyncadd.s32 $0xFFFFC000  }
0x72: {  	[spmem:s2] =	stream.indirect.scatter.add.f32 [tilespmem:s17], [sflag:$0x3], $0x80, s15, s16, $0xb8;
	[tilespmem:$0x1E800] =	vst v63  }
0x73: {  	_ =	swait.ge [sflag:s20], $0x4000  }
0x74: {  	[sflag:s20] =	ssyncset.done $0x0  }
0x75: {  	[sflag:s20] =	ssyncadd.s32 $0xFFFFC000  }
0x76: {  	[tilespmem:s17], [sflag:$0x1] =	stream.indirect.gather [hbm4b:s1+s16], $0x80, s21, s16, $0xb8;
	[tilespmem:$0x1E800] =	vst v63  }
0x77: {  	_ =	swait.ge [sflag:s22], $0x4000  }
0x78: {  	[sflag:s22] =	ssyncset.done $0x0  }
0x79: {  	[sflag:s22] =	ssyncadd.s32 $0xFFFFC000  }
0x7a: {  	[spmem:s2] =	stream.indirect.scatter.add.f32 [tilespmem:s18], [sflag:$0x4], $0x80, s23, s16, $0xb8;
	[tilespmem:$0x1E800] =	vst v63  }
0x7b: {  	_ =	swait.ge [sflag:s24], $0x4000  }
0x7c: {  	[sflag:s24] =	ssyncset.done $0x0  }
0x7d: {  	s0 =	simm.s32 $0x180;
	[sflag:s24] =	ssyncadd.s32 $0xFFFFC000  }
0x7e: {  	[tilespmem:s18], [sflag:$0x2] =	stream.indirect.gather [hbm4b:s1+s16], $0x80, s0, s16, $0xb8;
	[tilespmem:$0x1E800] =	vst v63  }
0x7f: {  	_ =	swait.ge [sflag:s19], $0x4000  }
0x80: {  	[sflag:s19] =	ssyncset.done $0x0  }
0x81: {  	s0 =	simm.s32 $0x1500;
	[sflag:s19] =	ssyncadd.s32 $0xFFFFC000  }
0x82: {  	[spmem:s2] =	stream.indirect.scatter.add.f32 [tilespmem:s17], [sflag:$0x3], $0x80, s0, s16, $0xb8;
	[tilespmem:$0x1E800] =	vst v63  }
0x83: {  	_ =	swait.ge [sflag:s20], $0x4000  }
0x84: {  	[sflag:s20] =	ssyncset.done $0x0  }
0x85: {  	s0 =	simm.s32 $0x200;
	[sflag:s20] =	ssyncadd.s32 $0xFFFFC000  }
0x86: {  	[tilespmem:s17], [sflag:$0x1] =	stream.indirect.gather [hbm4b:s1+s16], $0x80, s0, s16, $0xb8;
	[tilespmem:$0x1E800] =	vst v63  }
0x87: {  	_ =	swait.ge [sflag:s22], $0x4000  }
0x88: {  	[sflag:s22] =	ssyncset.done $0x0  }
0x89: {  	s30 =	simm.s32 $0xFFFFBC00;
	s31 =	simm.s32 $0x1580;
	[sflag:s22] =	ssyncadd.s32 $0xFFFFC000  }
.LBB2_4:
0x8a: {  	[spmem:s2] =	stream.indirect.scatter.add.f32 [tilespmem:s18], [sflag:$0x4], $0x80, s31, s16, $0xb8;
	[tilespmem:$0x1E800] =	vst v63  }
0x8b: {  	s0 =	smov.u32 s30  }
0x8c: {  	p0 =	sne.s32 s30, $0xFFFFFC00;
	s30 =	sadd.s32 $0x400, s30;
	_ =	swait.ge [sflag:s24], $0x4000  }
0x8d: {  	s0 =	sshra.s32 s0, $0x2;
	[sflag:s24] =	ssyncset.done $0x0  }
0x8e: {  	s31 =	sadd.s32 $0x1380, s0;
	[sflag:s24] =	ssyncadd.s32 $0xFFFFC000  }
0x8f: {  	[tilespmem:s18], [sflag:$0x2] =	stream.indirect.gather [hbm4b:s1+s16], $0x80, s31, s16, $0xb8;
	[tilespmem:$0x1E800] =	vst v63  }
0x90: {  	_ =	swait.ge [sflag:s19], $0x4000  }
0x91: {  	[sflag:s19] =	ssyncset.done $0x0  }
0x92: {  	s31 =	sadd.s32 $0x2700, s0;
	[sflag:s19] =	ssyncadd.s32 $0xFFFFC000  }
0x93: {  	[spmem:s2] =	stream.indirect.scatter.add.f32 [tilespmem:s17], [sflag:$0x3], $0x80, s31, s16, $0xb8;
	[tilespmem:$0x1E800] =	vst v63  }
0x94: {  	_ =	swait.ge [sflag:s20], $0x4000  }
0x95: {  	[sflag:s20] =	ssyncset.done $0x0  }
.Ltmp1:
0x96: {  	s31 =	sadd.s32 $0x1400, s0;
	[sflag:s20] =	ssyncadd.s32 $0xFFFFC000;
	(pc) =	sbr.rel @p0 .LBB2_4-.Ltmp1, $4  }
0x97: {  	[tilespmem:s17], [sflag:$0x1] =	stream.indirect.gather [hbm4b:s1+s16], $0x80, s31, s16, $0xb8;
	[tilespmem:$0x1E800] =	vst v63  }
0x98: {  	_ =	swait.ge [sflag:s22], $0x4000  }
0x99: {  	[sflag:s22] =	ssyncset.done $0x0  }
0x9a: {  	s31 =	sadd.s32 $0x2780, s0;
	[sflag:s22] =	ssyncadd.s32 $0xFFFFC000  }
0x9b: {  	[spmem:s2] =	stream.indirect.scatter.add.f32 [tilespmem:s18], [sflag:$0x4], $0x80, s31, s16, $0xb8;
	[tilespmem:$0x1E800] =	vst v63  }
0x9c: {  	_ =	swait.ge [sflag:s24], $0x4000  }
0x9d: {  	[sflag:s24] =	ssyncset.done $0x0  }
0x9e: {  	[sflag:s24] =	ssyncadd.s32 $0xFFFFC000  }
0x9f: {  	[tilespmem:s18], [sflag:$0x2] =	stream.indirect.gather [hbm4b:s1+s16], $0x80, s25, s16, $0xb8;
	[tilespmem:$0x1E800] =	vst v63  }
0xa0: {  	_ =	swait.ge [sflag:s19], $0x4000  }
0xa1: {  	[sflag:s19] =	ssyncset.done $0x0  }
0xa2: {  	[sflag:s19] =	ssyncadd.s32 $0xFFFFC000  }
0xa3: {  	[spmem:s2] =	stream.indirect.scatter.add.f32 [tilespmem:s17], [sflag:$0x3], $0x80, s26, s16, $0xb8;
	[tilespmem:$0x1E800] =	vst v63  }
0xa4: {  	_ =	swait.ge [sflag:s20], $0x4000  }
0xa5: {  	[sflag:s20] =	ssyncset.done $0x0  }
0xa6: {  	[sflag:s20] =	ssyncadd.s32 $0xFFFFC000  }
0xa7: {  	_ =	swait.ge [sflag:s22], $0x4000  }
0xa8: {  	[sflag:s22] =	ssyncset.done $0x0  }
0xa9: {  	[sflag:s22] =	ssyncadd.s32 $0xFFFFC000  }
0xaa: {  	[spmem:s2] =	stream.indirect.scatter.add.f32 [tilespmem:s18], [sflag:$0x4], $0x80, s28, s16, $0xb8;
	[tilespmem:$0x1E800] =	vst v63  }
0xab: {  	_ =	swait.ge [sflag:s24], $0x4000  }
0xac: {  	s29 =	sadd.s32 $0x1, s29;
	[sflag:s24] =	ssyncset.done $0x0  }
0xad: {  	p0 =	sne.s32 s29, s12;
	[sflag:s24] =	ssyncadd.s32 $0xFFFFC000  }
.Ltmp2:
0xae: {  	[bflag:$0x0] =	sbarrier.arrive $0xFFFF;
	(pc) =	sbr.rel @p0 .LBB2_1-.Ltmp2, $4  }
0xaf: {  	[hbm:s11], [sflag:s6] =	dma.local [spmem:s13], $0x2800  }
0xb0: {  	_ =	swait.ge [sflag:s14], $0x2800  }
0xb1: {  	[sflag:s14] =	ssyncset.done $0x0  }
0xb2: {  	[sflag:s14] =	ssyncadd.s32 $0xFFFFD800  }
0xb3: {  	_ =	sfence.sel $0x180000  }
0xb4: {  	[bflag:$0x0] =	sbarrier.arrive $0xFFFF  }
0xb5: {  	_ =	strace $0x9000004A  }
0xb6: {  	[bflag:$0x2] =	sbarrier.arrive $0xFFFF  }
0xb7: {  	p0 =	sne.s32 s3, $0x0;
	s0 =	rddreg [dreg:$0x3]  }
0xb8: {  	s0 =	sadd.s32 @!p0 $0x100000, s0  }
0xb9: {  	[sflag:s0] =	ssyncadd.tile.s32 @!p0 $0x1;
	_ =	shalt  }
.Lfunc_end2:
_tile_overlayer_lowered:
.L_overlay_start_2:
0xba: {  	(tag) =	ssettag $0x2  }
0xbb: {  	s0 =	rddreg [dreg:$0x0];
	s2 =	stileid.u32  }
0xbc: {  	s1 =	rddreg [dreg:$0x1];
	p0 =	sne.s32 s2, $0x0  }
0xbd: {  	s3 =	rddreg [dreg:$0x2];
	[bflag:$0x3] =	sbarrier.arrive $0xFFFF;
	s2 =	simm.s32 @!p0 $0x1C05  }
0xbe: {  	[timem:s3], [sflag:s2] =	dma.local @!p0 [hbm:s0], s1  }
0xbf: {  	s0 =	simm.s32 @!p0 $0x5  }
0xc0: {  	_ =	swait.ge @!p0 [sflag:s0], s1  }
0xc1: {  	s1 =	ssub.s32 @!p0 $0x0, s1;
	[sflag:s0] =	ssyncset.done @!p0 $0x0  }
0xc2: {  	[sflag:s0] =	ssyncadd.s32 @!p0 s1  }
0xc3: {  	[bflag:$0x3] =	sbarrier.arrive $0xFFFF  }
0xc4: {  	_ =	shalt  }

</sc_bundles>
